<compile_context>
chip_gen: v7x
topology: tpu7x:2x2x1
jax: 0.10.2.dev20260603
libtpu: 0.0.44.dev20260713+nightly
codegen_flags: <defaults>
</compile_context>

<pallas_src>
import functools

import jax
import jax.numpy as jnp
from jax import lax
from jax.experimental import pallas as pl
from jax.experimental.pallas import tpu as pltpu
from jax.experimental.pallas import tpu_sc as plsc

_NUM_CODES = 1024
_DIM = 64
_ROWS = 16384
_R = 2048
_GRID = _ROWS // _R
_COMMIT = 0.25

_NW = 32
_RPW = _ROWS // _NW
_CH = 64
_NCH = _RPW // _CH


def _vq_body(x_ref, embt_ref, emb_ref,
             idx_ref, q_ref, loss_ref, perp_ref,
             enorm_ref, counts_ref, acc_ref):
    step = pl.program_id(0)

    @pl.when(step == 0)
    def _init():
        embt0 = embt_ref[...]
        enorm_ref[...] = jnp.sum(embt0 * embt0, axis=0, keepdims=True)
        counts_ref[...] = jnp.zeros_like(counts_ref)
        acc_ref[0] = 0.0

    x = x_ref[...]
    xnorm = jnp.sum(x * x, axis=1, keepdims=True)
    xm2 = x * (-2.0)
    scores_m2 = lax.dot_general(xm2, embt_ref[...],
                                (((1,), (0,)), ((), ())),
                                preferred_element_type=jnp.float32)
    dist = (xnorm + enorm_ref[...]) + scores_m2
    minv = jnp.min(dist, axis=1, keepdims=True)
    iota = lax.broadcasted_iota(jnp.int32, (1, _NUM_CODES), 1).astype(jnp.float32)
    masked = jnp.where(dist == minv, iota, float(_NUM_CODES))
    idxf = jnp.min(masked, axis=1, keepdims=True)
    one_hot = jnp.where(masked == idxf, 1.0, 0.0)
    idx_ref[...] = idxf.astype(jnp.int32)
    q = lax.dot_general(one_hot, emb_ref[...],
                        (((1,), (0,)), ((), ())),
                        preferred_element_type=jnp.float32)
    q_ref[...] = q
    d = q - x
    acc_ref[0] += jnp.sum(d * d)
    ones_row = jnp.ones((1, _R), jnp.float32)
    counts_ref[...] += lax.dot_general(ones_row, one_hot,
                                       (((1,), (0,)), ((), ())),
                                       preferred_element_type=jnp.float32)

    @pl.when(step == _GRID - 1)
    def _fin():
        mean_sq = acc_ref[0] / (_ROWS * _DIM)
        loss_ref[...] = jnp.full((1, 1), mean_sq + _COMMIT * mean_sq,
                                 jnp.float32)
        probs = counts_ref[...] / _ROWS
        ent = jnp.sum(probs * jnp.log(probs + 1e-10), keepdims=True)
        perp_ref[...] = jnp.exp(-ent).reshape(1, 1)


_SC_MESH = plsc.VectorSubcoreMesh(core_axis_name="c", subcore_axis_name="s")


@functools.partial(
    pl.kernel,
    mesh=_SC_MESH,
    out_type=jax.ShapeDtypeStruct((_ROWS, _NUM_CODES), jnp.float32),
    scratch_types=[
        pltpu.VMEM((_CH,), jnp.int32),
        pltpu.VMEM((_CH, _NUM_CODES), jnp.float32),
        pltpu.SemaphoreType.DMA,
    ],
)
def _sc_enc(idx_hbm, eye_hbm, enc_hbm, idxc_v, buf, sem):
    wid = lax.axis_index("s") * 2 + lax.axis_index("c")
    base = wid * _RPW
    for ci in range(_NCH):
        pltpu.sync_copy(idx_hbm.at[pl.ds(base + ci * _CH, _CH)], idxc_v)
        pltpu.async_copy(eye_hbm.at[idxc_v], buf, sem).wait()
        pltpu.sync_copy(buf, enc_hbm.at[pl.ds(base + ci * _CH, _CH)])


def kernel(inputs, embedding_weight):
    b, c, h, w = inputs.shape
    x = jnp.transpose(inputs, (0, 2, 3, 1)).reshape(_ROWS, _DIM)
    embt = embedding_weight.T
    idx, q, loss, perp = pl.pallas_call(
        _vq_body,
        grid=(_GRID,),
        in_specs=[
            pl.BlockSpec((_R, _DIM), lambda i: (i, 0)),
            pl.BlockSpec((_DIM, _NUM_CODES), lambda i: (0, 0)),
            pl.BlockSpec((_NUM_CODES, _DIM), lambda i: (0, 0)),
        ],
        out_specs=[
            pl.BlockSpec((_R, 1), lambda i: (i, 0)),
            pl.BlockSpec((_R, _DIM), lambda i: (i, 0)),
            pl.BlockSpec((1, 1), lambda i: (0, 0)),
            pl.BlockSpec((1, 1), lambda i: (0, 0)),
        ],
        out_shape=[
            jax.ShapeDtypeStruct((_ROWS, 1), jnp.int32),
            jax.ShapeDtypeStruct((_ROWS, _DIM), jnp.float32),
            jax.ShapeDtypeStruct((1, 1), jnp.float32),
            jax.ShapeDtypeStruct((1, 1), jnp.float32),
        ],
        scratch_shapes=[
            pltpu.VMEM((1, _NUM_CODES), jnp.float32),
            pltpu.VMEM((1, _NUM_CODES), jnp.float32),
            pltpu.SMEM((1,), jnp.float32),
        ],
    )(x, embt, embedding_weight)
    eye = jnp.eye(_NUM_CODES, dtype=jnp.float32)
    enc = _sc_enc(idx.reshape(_ROWS), eye)
    quantized_out = jnp.transpose(q.reshape(b, h, w, c), (0, 3, 1, 2))
    encodings_out = enc.reshape(b, h, w, _NUM_CODES)
    return quantized_out, loss.reshape(()), perp.reshape(()), encodings_out

# --- scband reference (transcript-rebuilt; emitter-appended) ---
"""Pipeline reference for scband-vqlatent-space2-d-23691039605498 (READ-ONLY COPY).

The authoritative reference and input builder live on the scoring server;
editing this copy changes nothing except your own understanding.
"""

import jax, jax.numpy as jnp
import numpy as np

NUM_EMBEDDINGS = 1024
EMBEDDING_DIM = 64
COMMITMENT_COST = 0.25

def setup_inputs(seed: int = 0) -> dict:
    key = jax.random.key(seed)
    k1, k2 = jax.random.split(key)
    inputs = jax.random.normal(k1, (16, 64, 32, 32), dtype=jnp.float32)
    embedding_weight = jax.random.uniform(k2, (NUM_EMBEDDINGS, EMBEDDING_DIM), dtype=jnp.float32,
                                          minval=-1.0 / NUM_EMBEDDINGS, maxval=1.0 / NUM_EMBEDDINGS)
    return {"inputs": inputs, "embedding_weight": embedding_weight}

def reference(inputs, embedding_weight):
    # b c h w -> b h w c
    x = jnp.transpose(inputs, (0, 2, 3, 1))
    b, h, w, c = x.shape
    flat_input = x.reshape(-1, EMBEDDING_DIM)
    distances = (jnp.sum(flat_input ** 2, axis=1, keepdims=True)
                 + jnp.sum(embedding_weight ** 2, axis=1)
                 - 2.0 * jnp.matmul(flat_input, embedding_weight.T))
    encoding_indices = jnp.argmin(distances, axis=1)
    encodings = jax.nn.one_hot(encoding_indices, NUM_EMBEDDINGS, dtype=jnp.float32)
    quantized = jnp.matmul(encodings, embedding_weight).reshape(b, h, w, c)
    e_latent_loss = jnp.mean((jax.lax.stop_gradient(quantized) - x) ** 2)
    q_latent_loss = jnp.mean((quantized - jax.lax.stop_gradient(x)) ** 2)
    loss = q_latent_loss + COMMITMENT_COST * e_latent_loss
    quantized_st = x + jax.lax.stop_gradient(quantized - x)
    avg_probs = jnp.mean(encodings, axis=0)
    perplexity = jnp.exp(-jnp.sum(avg_probs * jnp.log(avg_probs + 1e-10)))
    quantized_out = jnp.transpose(quantized_st, (0, 3, 1, 2))
    encodings_out = encodings.reshape(b, h, w, NUM_EMBEDDINGS)
    return (quantized_out, loss, perplexity, encodings_out)

if __name__ == "__main__":
    import jax
    _d = setup_inputs()
    print(jax.jit(kernel)(*tuple(_d.values())))

</pallas_src>

<mosaic_0001>
#map = affine_map<(d0, d1) -> (0)>
#map1 = affine_map<(d0, d1) -> (0, 0)>
module attributes {stable_mosaic.version = 14 : i64} {
  func.func @_sc_enc(%arg0: i32, %arg1: i32, %arg2: memref<16384xi32, #tpu.memory_space<hbm>>, %arg3: memref<1024x1024xf32, #tpu.memory_space<hbm>>, %arg4: memref<16384x1024xf32, #tpu.memory_space<hbm>>, %arg5: memref<64xi32, #tpu.memory_space<vmem>>, %arg6: memref<64x1024xf32, #tpu.memory_space<vmem>>, %arg7: memref<!tpu.dma_semaphore, #tpu.memory_space<semaphore_mem>>) attributes {dimension_semantics = [#tpu.dimension_semantics<core_parallel>, #tpu.dimension_semantics<subcore_parallel>], iteration_bounds = array<i64: 2, 16>, scalar_prefetch = 0 : i64, scratch_operands = 3 : i64, tpu.core_type = #tpu.core_type<sc_vector_subcore>, window_params = [{transform_indices = #map}, {transform_indices = #map1}, {transform_indices = #map1}]} {
    %mul3A = arith.constant 2 : i32
    %mul3A_0 = arith.muli %arg1, %mul3A : i32
    %add3A = arith.addi %mul3A_0, %arg0 : i32
    %mul3A_1 = arith.constant 512 : i32
    %mul3A_2 = arith.muli %add3A, %mul3A_1 : i32
    %add3A_3 = arith.constant 0 : i32
    %add3A_4 = arith.addi %mul3A_2, %add3A_3 : i32
    "tpu.region"() ({
      %run_scoped3A = tpu.sem_alloc : memref<!tpu.dma_semaphore, #tpu.memory_space<semaphore_mem>>
      %dma_start3A_81 = tpu.memref_slice %arg2[%add3A_4] : memref<16384xi32, #tpu.memory_space<hbm>> -> memref<64xi32, #tpu.memory_space<hbm>>
      %dma_start3A_82 = tpu.memref_slice %arg2[%add3A_4] : memref<16384xi32, #tpu.memory_space<hbm>> -> memref<64xi32, #tpu.memory_space<hbm>>
      tpu.enqueue_dma source(%dma_start3A_82 : memref<64xi32, #tpu.memory_space<hbm>>) target(%arg5 : memref<64xi32, #tpu.memory_space<vmem>>) target_semaphore(%run_scoped3A : memref<!tpu.dma_semaphore, #tpu.memory_space<semaphore_mem>>)
      %dma_wait3A_83 = tpu.memref_slice %arg2[%add3A_4] : memref<16384xi32, #tpu.memory_space<hbm>> -> memref<64xi32, #tpu.memory_space<hbm>>
      %dma_wait3A_84 = tpu.memref_slice %arg2[%add3A_4] : memref<16384xi32, #tpu.memory_space<hbm>> -> memref<64xi32, #tpu.memory_space<hbm>>
      tpu.wait_dma2 semaphore(%run_scoped3A : memref<!tpu.dma_semaphore, #tpu.memory_space<semaphore_mem>>) src(%dma_wait3A_84 : memref<64xi32, #tpu.memory_space<hbm>>) dst(%arg5 : memref<64xi32, #tpu.memory_space<vmem>>)
      tpu.yield
    }) : () -> ()
    %dma_start3A = arith.constant 0 : i32
    %dma_start3A_5 = arith.constant 0 : i32
    %dma_start3A_6 = tpu.memref_slice %arg3[%dma_start3A, %dma_start3A_5] : memref<1024x1024xf32, #tpu.memory_space<hbm>> -> memref<1024x1024xf32, #tpu.memory_space<hbm>>
    tpu.enqueue_indirect_dma source(%dma_start3A_6 : memref<1024x1024xf32, #tpu.memory_space<hbm>>) target(%arg6 : memref<64x1024xf32, #tpu.memory_space<vmem>>) offsets(%arg5 : memref<64xi32, #tpu.memory_space<vmem>>) semaphore(%arg7 : memref<!tpu.dma_semaphore, #tpu.memory_space<semaphore_mem>>)
    %dma_wait3A = arith.constant 0 : i32
    %dma_wait3A_7 = arith.constant 0 : i32
    %dma_wait3A_8 = tpu.memref_slice %arg3[%dma_wait3A, %dma_wait3A_7] : memref<1024x1024xf32, #tpu.memory_space<hbm>> -> memref<1024x1024xf32, #tpu.memory_space<hbm>>
    tpu.wait_indirect_dma semaphore(%arg7 : memref<!tpu.dma_semaphore, #tpu.memory_space<semaphore_mem>>) src(%dma_wait3A_8 : memref<1024x1024xf32, #tpu.memory_space<hbm>>) dst(%arg6 : memref<64x1024xf32, #tpu.memory_space<vmem>>)
    %add3A_9 = arith.constant 0 : i32
    %add3A_10 = arith.addi %mul3A_2, %add3A_9 : i32
    "tpu.region"() ({
      %run_scoped3A = tpu.sem_alloc : memref<!tpu.dma_semaphore, #tpu.memory_space<semaphore_mem>>
      %dma_start3A_81 = arith.constant 0 : i32
      %dma_start3A_82 = tpu.memref_slice %arg4[%add3A_10, %dma_start3A_81] : memref<16384x1024xf32, #tpu.memory_space<hbm>> -> memref<64x1024xf32, #tpu.memory_space<hbm>>
      %dma_start3A_83 = arith.constant 0 : i32
      %dma_start3A_84 = tpu.memref_slice %arg4[%add3A_10, %dma_start3A_83] : memref<16384x1024xf32, #tpu.memory_space<hbm>> -> memref<64x1024xf32, #tpu.memory_space<hbm>>
      tpu.enqueue_dma source(%arg6 : memref<64x1024xf32, #tpu.memory_space<vmem>>) target(%dma_start3A_84 : memref<64x1024xf32, #tpu.memory_space<hbm>>) target_semaphore(%run_scoped3A : memref<!tpu.dma_semaphore, #tpu.memory_space<semaphore_mem>>)
      %dma_wait3A_85 = arith.constant 0 : i32
      %dma_wait3A_86 = tpu.memref_slice %arg4[%add3A_10, %dma_wait3A_85] : memref<16384x1024xf32, #tpu.memory_space<hbm>> -> memref<64x1024xf32, #tpu.memory_space<hbm>>
      %dma_wait3A_87 = arith.constant 0 : i32
      %dma_wait3A_88 = tpu.memref_slice %arg4[%add3A_10, %dma_wait3A_87] : memref<16384x1024xf32, #tpu.memory_space<hbm>> -> memref<64x1024xf32, #tpu.memory_space<hbm>>
      tpu.wait_dma2 semaphore(%run_scoped3A : memref<!tpu.dma_semaphore, #tpu.memory_space<semaphore_mem>>) src(%arg6 : memref<64x1024xf32, #tpu.memory_space<vmem>>) dst(%dma_wait3A_88 : memref<64x1024xf32, #tpu.memory_space<hbm>>)
      tpu.yield
    }) : () -> ()
    %add3A_11 = arith.constant 64 : i32
    %add3A_12 = arith.addi %mul3A_2, %add3A_11 : i32
    "tpu.region"() ({
      %run_scoped3A = tpu.sem_alloc : memref<!tpu.dma_semaphore, #tpu.memory_space<semaphore_mem>>
      %dma_start3A_81 = tpu.memref_slice %arg2[%add3A_12] : memref<16384xi32, #tpu.memory_space<hbm>> -> memref<64xi32, #tpu.memory_space<hbm>>
      %dma_start3A_82 = tpu.memref_slice %arg2[%add3A_12] : memref<16384xi32, #tpu.memory_space<hbm>> -> memref<64xi32, #tpu.memory_space<hbm>>
      tpu.enqueue_dma source(%dma_start3A_82 : memref<64xi32, #tpu.memory_space<hbm>>) target(%arg5 : memref<64xi32, #tpu.memory_space<vmem>>) target_semaphore(%run_scoped3A : memref<!tpu.dma_semaphore, #tpu.memory_space<semaphore_mem>>)
      %dma_wait3A_83 = tpu.memref_slice %arg2[%add3A_12] : memref<16384xi32, #tpu.memory_space<hbm>> -> memref<64xi32, #tpu.memory_space<hbm>>
      %dma_wait3A_84 = tpu.memref_slice %arg2[%add3A_12] : memref<16384xi32, #tpu.memory_space<hbm>> -> memref<64xi32, #tpu.memory_space<hbm>>
      tpu.wait_dma2 semaphore(%run_scoped3A : memref<!tpu.dma_semaphore, #tpu.memory_space<semaphore_mem>>) src(%dma_wait3A_84 : memref<64xi32, #tpu.memory_space<hbm>>) dst(%arg5 : memref<64xi32, #tpu.memory_space<vmem>>)
      tpu.yield
    }) : () -> ()
    %dma_start3A_13 = arith.constant 0 : i32
    %dma_start3A_14 = arith.constant 0 : i32
    %dma_start3A_15 = tpu.memref_slice %arg3[%dma_start3A_13, %dma_start3A_14] : memref<1024x1024xf32, #tpu.memory_space<hbm>> -> memref<1024x1024xf32, #tpu.memory_space<hbm>>
    tpu.enqueue_indirect_dma source(%dma_start3A_15 : memref<1024x1024xf32, #tpu.memory_space<hbm>>) target(%arg6 : memref<64x1024xf32, #tpu.memory_space<vmem>>) offsets(%arg5 : memref<64xi32, #tpu.memory_space<vmem>>) semaphore(%arg7 : memref<!tpu.dma_semaphore, #tpu.memory_space<semaphore_mem>>)
    %dma_wait3A_16 = arith.constant 0 : i32
    %dma_wait3A_17 = arith.constant 0 : i32
    %dma_wait3A_18 = tpu.memref_slice %arg3[%dma_wait3A_16, %dma_wait3A_17] : memref<1024x1024xf32, #tpu.memory_space<hbm>> -> memref<1024x1024xf32, #tpu.memory_space<hbm>>
    tpu.wait_indirect_dma semaphore(%arg7 : memref<!tpu.dma_semaphore, #tpu.memory_space<semaphore_mem>>) src(%dma_wait3A_18 : memref<1024x1024xf32, #tpu.memory_space<hbm>>) dst(%arg6 : memref<64x1024xf32, #tpu.memory_space<vmem>>)
    %add3A_19 = arith.constant 64 : i32
    %add3A_20 = arith.addi %mul3A_2, %add3A_19 : i32
    "tpu.region"() ({
      %run_scoped3A = tpu.sem_alloc : memref<!tpu.dma_semaphore, #tpu.memory_space<semaphore_mem>>
      %dma_start3A_81 = arith.constant 0 : i32
      %dma_start3A_82 = tpu.memref_slice %arg4[%add3A_20, %dma_start3A_81] : memref<16384x1024xf32, #tpu.memory_space<hbm>> -> memref<64x1024xf32, #tpu.memory_space<hbm>>
      %dma_start3A_83 = arith.constant 0 : i32
      %dma_start3A_84 = tpu.memref_slice %arg4[%add3A_20, %dma_start3A_83] : memref<16384x1024xf32, #tpu.memory_space<hbm>> -> memref<64x1024xf32, #tpu.memory_space<hbm>>
      tpu.enqueue_dma source(%arg6 : memref<64x1024xf32, #tpu.memory_space<vmem>>) target(%dma_start3A_84 : memref<64x1024xf32, #tpu.memory_space<hbm>>) target_semaphore(%run_scoped3A : memref<!tpu.dma_semaphore, #tpu.memory_space<semaphore_mem>>)
      %dma_wait3A_85 = arith.constant 0 : i32
      %dma_wait3A_86 = tpu.memref_slice %arg4[%add3A_20, %dma_wait3A_85] : memref<16384x1024xf32, #tpu.memory_space<hbm>> -> memref<64x1024xf32, #tpu.memory_space<hbm>>
      %dma_wait3A_87 = arith.constant 0 : i32
      %dma_wait3A_88 = tpu.memref_slice %arg4[%add3A_20, %dma_wait3A_87] : memref<16384x1024xf32, #tpu.memory_space<hbm>> -> memref<64x1024xf32, #tpu.memory_space<hbm>>
      tpu.wait_dma2 semaphore(%run_scoped3A : memref<!tpu.dma_semaphore, #tpu.memory_space<semaphore_mem>>) src(%arg6 : memref<64x1024xf32, #tpu.memory_space<vmem>>) dst(%dma_wait3A_88 : memref<64x1024xf32, #tpu.memory_space<hbm>>)
      tpu.yield
    }) : () -> ()
    %add3A_21 = arith.constant 128 : i32
    %add3A_22 = arith.addi %mul3A_2, %add3A_21 : i32
    "tpu.region"() ({
      %run_scoped3A = tpu.sem_alloc : memref<!tpu.dma_semaphore, #tpu.memory_space<semaphore_mem>>
      %dma_start3A_81 = tpu.memref_slice %arg2[%add3A_22] : memref<16384xi32, #tpu.memory_space<hbm>> -> memref<64xi32, #tpu.memory_space<hbm>>
      %dma_start3A_82 = tpu.memref_slice %arg2[%add3A_22] : memref<16384xi32, #tpu.memory_space<hbm>> -> memref<64xi32, #tpu.memory_space<hbm>>
      tpu.enqueue_dma source(%dma_start3A_82 : memref<64xi32, #tpu.memory_space<hbm>>) target(%arg5 : memref<64xi32, #tpu.memory_space<vmem>>) target_semaphore(%run_scoped3A : memref<!tpu.dma_semaphore, #tpu.memory_space<semaphore_mem>>)
      %dma_wait3A_83 = tpu.memref_slice %arg2[%add3A_22] : memref<16384xi32, #tpu.memory_space<hbm>> -> memref<64xi32, #tpu.memory_space<hbm>>
      %dma_wait3A_84 = tpu.memref_slice %arg2[%add3A_22] : memref<16384xi32, #tpu.memory_space<hbm>> -> memref<64xi32, #tpu.memory_space<hbm>>
      tpu.wait_dma2 semaphore(%run_scoped3A : memref<!tpu.dma_semaphore, #tpu.memory_space<semaphore_mem>>) src(%dma_wait3A_84 : memref<64xi32, #tpu.memory_space<hbm>>) dst(%arg5 : memref<64xi32, #tpu.memory_space<vmem>>)
      tpu.yield
    }) : () -> ()
    %dma_start3A_23 = arith.constant 0 : i32
    %dma_start3A_24 = arith.constant 0 : i32
    %dma_start3A_25 = tpu.memref_slice %arg3[%dma_start3A_23, %dma_start3A_24] : memref<1024x1024xf32, #tpu.memory_space<hbm>> -> memref<1024x1024xf32, #tpu.memory_space<hbm>>
    tpu.enqueue_indirect_dma source(%dma_start3A_25 : memref<1024x1024xf32, #tpu.memory_space<hbm>>) target(%arg6 : memref<64x1024xf32, #tpu.memory_space<vmem>>) offsets(%arg5 : memref<64xi32, #tpu.memory_space<vmem>>) semaphore(%arg7 : memref<!tpu.dma_semaphore, #tpu.memory_space<semaphore_mem>>)
    %dma_wait3A_26 = arith.constant 0 : i32
    %dma_wait3A_27 = arith.constant 0 : i32
    %dma_wait3A_28 = tpu.memref_slice %arg3[%dma_wait3A_26, %dma_wait3A_27] : memref<1024x1024xf32, #tpu.memory_space<hbm>> -> memref<1024x1024xf32, #tpu.memory_space<hbm>>
    tpu.wait_indirect_dma semaphore(%arg7 : memref<!tpu.dma_semaphore, #tpu.memory_space<semaphore_mem>>) src(%dma_wait3A_28 : memref<1024x1024xf32, #tpu.memory_space<hbm>>) dst(%arg6 : memref<64x1024xf32, #tpu.memory_space<vmem>>)
    %add3A_29 = arith.constant 128 : i32
    %add3A_30 = arith.addi %mul3A_2, %add3A_29 : i32
    "tpu.region"() ({
      %run_scoped3A = tpu.sem_alloc : memref<!tpu.dma_semaphore, #tpu.memory_space<semaphore_mem>>
      %dma_start3A_81 = arith.constant 0 : i32
      %dma_start3A_82 = tpu.memref_slice %arg4[%add3A_30, %dma_start3A_81] : memref<16384x1024xf32, #tpu.memory_space<hbm>> -> memref<64x1024xf32, #tpu.memory_space<hbm>>
      %dma_start3A_83 = arith.constant 0 : i32
      %dma_start3A_84 = tpu.memref_slice %arg4[%add3A_30, %dma_start3A_83] : memref<16384x1024xf32, #tpu.memory_space<hbm>> -> memref<64x1024xf32, #tpu.memory_space<hbm>>
      tpu.enqueue_dma source(%arg6 : memref<64x1024xf32, #tpu.memory_space<vmem>>) target(%dma_start3A_84 : memref<64x1024xf32, #tpu.memory_space<hbm>>) target_semaphore(%run_scoped3A : memref<!tpu.dma_semaphore, #tpu.memory_space<semaphore_mem>>)
      %dma_wait3A_85 = arith.constant 0 : i32
      %dma_wait3A_86 = tpu.memref_slice %arg4[%add3A_30, %dma_wait3A_85] : memref<16384x1024xf32, #tpu.memory_space<hbm>> -> memref<64x1024xf32, #tpu.memory_space<hbm>>
      %dma_wait3A_87 = arith.constant 0 : i32
      %dma_wait3A_88 = tpu.memref_slice %arg4[%add3A_30, %dma_wait3A_87] : memref<16384x1024xf32, #tpu.memory_space<hbm>> -> memref<64x1024xf32, #tpu.memory_space<hbm>>
      tpu.wait_dma2 semaphore(%run_scoped3A : memref<!tpu.dma_semaphore, #tpu.memory_space<semaphore_mem>>) src(%arg6 : memref<64x1024xf32, #tpu.memory_space<vmem>>) dst(%dma_wait3A_88 : memref<64x1024xf32, #tpu.memory_space<hbm>>)
      tpu.yield
    }) : () -> ()
    %add3A_31 = arith.constant 192 : i32
    %add3A_32 = arith.addi %mul3A_2, %add3A_31 : i32
    "tpu.region"() ({
      %run_scoped3A = tpu.sem_alloc : memref<!tpu.dma_semaphore, #tpu.memory_space<semaphore_mem>>
      %dma_start3A_81 = tpu.memref_slice %arg2[%add3A_32] : memref<16384xi32, #tpu.memory_space<hbm>> -> memref<64xi32, #tpu.memory_space<hbm>>
      %dma_start3A_82 = tpu.memref_slice %arg2[%add3A_32] : memref<16384xi32, #tpu.memory_space<hbm>> -> memref<64xi32, #tpu.memory_space<hbm>>
      tpu.enqueue_dma source(%dma_start3A_82 : memref<64xi32, #tpu.memory_space<hbm>>) target(%arg5 : memref<64xi32, #tpu.memory_space<vmem>>) target_semaphore(%run_scoped3A : memref<!tpu.dma_semaphore, #tpu.memory_space<semaphore_mem>>)
      %dma_wait3A_83 = tpu.memref_slice %arg2[%add3A_32] : memref<16384xi32, #tpu.memory_space<hbm>> -> memref<64xi32, #tpu.memory_space<hbm>>
      %dma_wait3A_84 = tpu.memref_slice %arg2[%add3A_32] : memref<16384xi32, #tpu.memory_space<hbm>> -> memref<64xi32, #tpu.memory_space<hbm>>
      tpu.wait_dma2 semaphore(%run_scoped3A : memref<!tpu.dma_semaphore, #tpu.memory_space<semaphore_mem>>) src(%dma_wait3A_84 : memref<64xi32, #tpu.memory_space<hbm>>) dst(%arg5 : memref<64xi32, #tpu.memory_space<vmem>>)
      tpu.yield
    }) : () -> ()
    %dma_start3A_33 = arith.constant 0 : i32
    %dma_start3A_34 = arith.constant 0 : i32
    %dma_start3A_35 = tpu.memref_slice %arg3[%dma_start3A_33, %dma_start3A_34] : memref<1024x1024xf32, #tpu.memory_space<hbm>> -> memref<1024x1024xf32, #tpu.memory_space<hbm>>
    tpu.enqueue_indirect_dma source(%dma_start3A_35 : memref<1024x1024xf32, #tpu.memory_space<hbm>>) target(%arg6 : memref<64x1024xf32, #tpu.memory_space<vmem>>) offsets(%arg5 : memref<64xi32, #tpu.memory_space<vmem>>) semaphore(%arg7 : memref<!tpu.dma_semaphore, #tpu.memory_space<semaphore_mem>>)
    %dma_wait3A_36 = arith.constant 0 : i32
    %dma_wait3A_37 = arith.constant 0 : i32
    %dma_wait3A_38 = tpu.memref_slice %arg3[%dma_wait3A_36, %dma_wait3A_37] : memref<1024x1024xf32, #tpu.memory_space<hbm>> -> memref<1024x1024xf32, #tpu.memory_space<hbm>>
    tpu.wait_indirect_dma semaphore(%arg7 : memref<!tpu.dma_semaphore, #tpu.memory_space<semaphore_mem>>) src(%dma_wait3A_38 : memref<1024x1024xf32, #tpu.memory_space<hbm>>) dst(%arg6 : memref<64x1024xf32, #tpu.memory_space<vmem>>)
    %add3A_39 = arith.constant 192 : i32
    %add3A_40 = arith.addi %mul3A_2, %add3A_39 : i32
    "tpu.region"() ({
      %run_scoped3A = tpu.sem_alloc : memref<!tpu.dma_semaphore, #tpu.memory_space<semaphore_mem>>
      %dma_start3A_81 = arith.constant 0 : i32
      %dma_start3A_82 = tpu.memref_slice %arg4[%add3A_40, %dma_start3A_81] : memref<16384x1024xf32, #tpu.memory_space<hbm>> -> memref<64x1024xf32, #tpu.memory_space<hbm>>
      %dma_start3A_83 = arith.constant 0 : i32
      %dma_start3A_84 = tpu.memref_slice %arg4[%add3A_40, %dma_start3A_83] : memref<16384x1024xf32, #tpu.memory_space<hbm>> -> memref<64x1024xf32, #tpu.memory_space<hbm>>
      tpu.enqueue_dma source(%arg6 : memref<64x1024xf32, #tpu.memory_space<vmem>>) target(%dma_start3A_84 : memref<64x1024xf32, #tpu.memory_space<hbm>>) target_semaphore(%run_scoped3A : memref<!tpu.dma_semaphore, #tpu.memory_space<semaphore_mem>>)
      %dma_wait3A_85 = arith.constant 0 : i32
      %dma_wait3A_86 = tpu.memref_slice %arg4[%add3A_40, %dma_wait3A_85] : memref<16384x1024xf32, #tpu.memory_space<hbm>> -> memref<64x1024xf32, #tpu.memory_space<hbm>>
      %dma_wait3A_87 = arith.constant 0 : i32
      %dma_wait3A_88 = tpu.memref_slice %arg4[%add3A_40, %dma_wait3A_87] : memref<16384x1024xf32, #tpu.memory_space<hbm>> -> memref<64x1024xf32, #tpu.memory_space<hbm>>
      tpu.wait_dma2 semaphore(%run_scoped3A : memref<!tpu.dma_semaphore, #tpu.memory_space<semaphore_mem>>) src(%arg6 : memref<64x1024xf32, #tpu.memory_space<vmem>>) dst(%dma_wait3A_88 : memref<64x1024xf32, #tpu.memory_space<hbm>>)
      tpu.yield
    }) : () -> ()
    %add3A_41 = arith.constant 256 : i32
    %add3A_42 = arith.addi %mul3A_2, %add3A_41 : i32
    "tpu.region"() ({
      %run_scoped3A = tpu.sem_alloc : memref<!tpu.dma_semaphore, #tpu.memory_space<semaphore_mem>>
      %dma_start3A_81 = tpu.memref_slice %arg2[%add3A_42] : memref<16384xi32, #tpu.memory_space<hbm>> -> memref<64xi32, #tpu.memory_space<hbm>>
      %dma_start3A_82 = tpu.memref_slice %arg2[%add3A_42] : memref<16384xi32, #tpu.memory_space<hbm>> -> memref<64xi32, #tpu.memory_space<hbm>>
      tpu.enqueue_dma source(%dma_start3A_82 : memref<64xi32, #tpu.memory_space<hbm>>) target(%arg5 : memref<64xi32, #tpu.memory_space<vmem>>) target_semaphore(%run_scoped3A : memref<!tpu.dma_semaphore, #tpu.memory_space<semaphore_mem>>)
      %dma_wait3A_83 = tpu.memref_slice %arg2[%add3A_42] : memref<16384xi32, #tpu.memory_space<hbm>> -> memref<64xi32, #tpu.memory_space<hbm>>
      %dma_wait3A_84 = tpu.memref_slice %arg2[%add3A_42] : memref<16384xi32, #tpu.memory_space<hbm>> -> memref<64xi32, #tpu.memory_space<hbm>>
      tpu.wait_dma2 semaphore(%run_scoped3A : memref<!tpu.dma_semaphore, #tpu.memory_space<semaphore_mem>>) src(%dma_wait3A_84 : memref<64xi32, #tpu.memory_space<hbm>>) dst(%arg5 : memref<64xi32, #tpu.memory_space<vmem>>)
      tpu.yield
    }) : () -> ()
    %dma_start3A_43 = arith.constant 0 : i32
    %dma_start3A_44 = arith.constant 0 : i32
    %dma_start3A_45 = tpu.memref_slice %arg3[%dma_start3A_43, %dma_start3A_44] : memref<1024x1024xf32, #tpu.memory_space<hbm>> -> memref<1024x1024xf32, #tpu.memory_space<hbm>>
    tpu.enqueue_indirect_dma source(%dma_start3A_45 : memref<1024x1024xf32, #tpu.memory_space<hbm>>) target(%arg6 : memref<64x1024xf32, #tpu.memory_space<vmem>>) offsets(%arg5 : memref<64xi32, #tpu.memory_space<vmem>>) semaphore(%arg7 : memref<!tpu.dma_semaphore, #tpu.memory_space<semaphore_mem>>)
    %dma_wait3A_46 = arith.constant 0 : i32
    %dma_wait3A_47 = arith.constant 0 : i32
    %dma_wait3A_48 = tpu.memref_slice %arg3[%dma_wait3A_46, %dma_wait3A_47] : memref<1024x1024xf32, #tpu.memory_space<hbm>> -> memref<1024x1024xf32, #tpu.memory_space<hbm>>
    tpu.wait_indirect_dma semaphore(%arg7 : memref<!tpu.dma_semaphore, #tpu.memory_space<semaphore_mem>>) src(%dma_wait3A_48 : memref<1024x1024xf32, #tpu.memory_space<hbm>>) dst(%arg6 : memref<64x1024xf32, #tpu.memory_space<vmem>>)
    %add3A_49 = arith.constant 256 : i32
    %add3A_50 = arith.addi %mul3A_2, %add3A_49 : i32
    "tpu.region"() ({
      %run_scoped3A = tpu.sem_alloc : memref<!tpu.dma_semaphore, #tpu.memory_space<semaphore_mem>>
      %dma_start3A_81 = arith.constant 0 : i32
      %dma_start3A_82 = tpu.memref_slice %arg4[%add3A_50, %dma_start3A_81] : memref<16384x1024xf32, #tpu.memory_space<hbm>> -> memref<64x1024xf32, #tpu.memory_space<hbm>>
      %dma_start3A_83 = arith.constant 0 : i32
      %dma_start3A_84 = tpu.memref_slice %arg4[%add3A_50, %dma_start3A_83] : memref<16384x1024xf32, #tpu.memory_space<hbm>> -> memref<64x1024xf32, #tpu.memory_space<hbm>>
      tpu.enqueue_dma source(%arg6 : memref<64x1024xf32, #tpu.memory_space<vmem>>) target(%dma_start3A_84 : memref<64x1024xf32, #tpu.memory_space<hbm>>) target_semaphore(%run_scoped3A : memref<!tpu.dma_semaphore, #tpu.memory_space<semaphore_mem>>)
      %dma_wait3A_85 = arith.constant 0 : i32
      %dma_wait3A_86 = tpu.memref_slice %arg4[%add3A_50, %dma_wait3A_85] : memref<16384x1024xf32, #tpu.memory_space<hbm>> -> memref<64x1024xf32, #tpu.memory_space<hbm>>
      %dma_wait3A_87 = arith.constant 0 : i32
      %dma_wait3A_88 = tpu.memref_slice %arg4[%add3A_50, %dma_wait3A_87] : memref<16384x1024xf32, #tpu.memory_space<hbm>> -> memref<64x1024xf32, #tpu.memory_space<hbm>>
      tpu.wait_dma2 semaphore(%run_scoped3A : memref<!tpu.dma_semaphore, #tpu.memory_space<semaphore_mem>>) src(%arg6 : memref<64x1024xf32, #tpu.memory_space<vmem>>) dst(%dma_wait3A_88 : memref<64x1024xf32, #tpu.memory_space<hbm>>)
      tpu.yield
    }) : () -> ()
    %add3A_51 = arith.constant 320 : i32
    %add3A_52 = arith.addi %mul3A_2, %add3A_51 : i32
    "tpu.region"() ({
      %run_scoped3A = tpu.sem_alloc : memref<!tpu.dma_semaphore, #tpu.memory_space<semaphore_mem>>
      %dma_start3A_81 = tpu.memref_slice %arg2[%add3A_52] : memref<16384xi32, #tpu.memory_space<hbm>> -> memref<64xi32, #tpu.memory_space<hbm>>
      %dma_start3A_82 = tpu.memref_slice %arg2[%add3A_52] : memref<16384xi32, #tpu.memory_space<hbm>> -> memref<64xi32, #tpu.memory_space<hbm>>
      tpu.enqueue_dma source(%dma_start3A_82 : memref<64xi32, #tpu.memory_space<hbm>>) target(%arg5 : memref<64xi32, #tpu.memory_space<vmem>>) target_semaphore(%run_scoped3A : memref<!tpu.dma_semaphore, #tpu.memory_space<semaphore_mem>>)
      %dma_wait3A_83 = tpu.memref_slice %arg2[%add3A_52] : memref<16384xi32, #tpu.memory_space<hbm>> -> memref<64xi32, #tpu.memory_space<hbm>>
      %dma_wait3A_84 = tpu.memref_slice %arg2[%add3A_52] : memref<16384xi32, #tpu.memory_space<hbm>> -> memref<64xi32, #tpu.memory_space<hbm>>
      tpu.wait_dma2 semaphore(%run_scoped3A : memref<!tpu.dma_semaphore, #tpu.memory_space<semaphore_mem>>) src(%dma_wait3A_84 : memref<64xi32, #tpu.memory_space<hbm>>) dst(%arg5 : memref<64xi32, #tpu.memory_space<vmem>>)
      tpu.yield
    }) : () -> ()
    %dma_start3A_53 = arith.constant 0 : i32
    %dma_start3A_54 = arith.constant 0 : i32
    %dma_start3A_55 = tpu.memref_slice %arg3[%dma_start3A_53, %dma_start3A_54] : memref<1024x1024xf32, #tpu.memory_space<hbm>> -> memref<1024x1024xf32, #tpu.memory_space<hbm>>
    tpu.enqueue_indirect_dma source(%dma_start3A_55 : memref<1024x1024xf32, #tpu.memory_space<hbm>>) target(%arg6 : memref<64x1024xf32, #tpu.memory_space<vmem>>) offsets(%arg5 : memref<64xi32, #tpu.memory_space<vmem>>) semaphore(%arg7 : memref<!tpu.dma_semaphore, #tpu.memory_space<semaphore_mem>>)
    %dma_wait3A_56 = arith.constant 0 : i32
    %dma_wait3A_57 = arith.constant 0 : i32
    %dma_wait3A_58 = tpu.memref_slice %arg3[%dma_wait3A_56, %dma_wait3A_57] : memref<1024x1024xf32, #tpu.memory_space<hbm>> -> memref<1024x1024xf32, #tpu.memory_space<hbm>>
    tpu.wait_indirect_dma semaphore(%arg7 : memref<!tpu.dma_semaphore, #tpu.memory_space<semaphore_mem>>) src(%dma_wait3A_58 : memref<1024x1024xf32, #tpu.memory_space<hbm>>) dst(%arg6 : memref<64x1024xf32, #tpu.memory_space<vmem>>)
    %add3A_59 = arith.constant 320 : i32
    %add3A_60 = arith.addi %mul3A_2, %add3A_59 : i32
    "tpu.region"() ({
      %run_scoped3A = tpu.sem_alloc : memref<!tpu.dma_semaphore, #tpu.memory_space<semaphore_mem>>
      %dma_start3A_81 = arith.constant 0 : i32
      %dma_start3A_82 = tpu.memref_slice %arg4[%add3A_60, %dma_start3A_81] : memref<16384x1024xf32, #tpu.memory_space<hbm>> -> memref<64x1024xf32, #tpu.memory_space<hbm>>
      %dma_start3A_83 = arith.constant 0 : i32
      %dma_start3A_84 = tpu.memref_slice %arg4[%add3A_60, %dma_start3A_83] : memref<16384x1024xf32, #tpu.memory_space<hbm>> -> memref<64x1024xf32, #tpu.memory_space<hbm>>
      tpu.enqueue_dma source(%arg6 : memref<64x1024xf32, #tpu.memory_space<vmem>>) target(%dma_start3A_84 : memref<64x1024xf32, #tpu.memory_space<hbm>>) target_semaphore(%run_scoped3A : memref<!tpu.dma_semaphore, #tpu.memory_space<semaphore_mem>>)
      %dma_wait3A_85 = arith.constant 0 : i32
      %dma_wait3A_86 = tpu.memref_slice %arg4[%add3A_60, %dma_wait3A_85] : memref<16384x1024xf32, #tpu.memory_space<hbm>> -> memref<64x1024xf32, #tpu.memory_space<hbm>>
      %dma_wait3A_87 = arith.constant 0 : i32
      %dma_wait3A_88 = tpu.memref_slice %arg4[%add3A_60, %dma_wait3A_87] : memref<16384x1024xf32, #tpu.memory_space<hbm>> -> memref<64x1024xf32, #tpu.memory_space<hbm>>
      tpu.wait_dma2 semaphore(%run_scoped3A : memref<!tpu.dma_semaphore, #tpu.memory_space<semaphore_mem>>) src(%arg6 : memref<64x1024xf32, #tpu.memory_space<vmem>>) dst(%dma_wait3A_88 : memref<64x1024xf32, #tpu.memory_space<hbm>>)
      tpu.yield
    }) : () -> ()
    %add3A_61 = arith.constant 384 : i32
    %add3A_62 = arith.addi %mul3A_2, %add3A_61 : i32
    "tpu.region"() ({
      %run_scoped3A = tpu.sem_alloc : memref<!tpu.dma_semaphore, #tpu.memory_space<semaphore_mem>>
      %dma_start3A_81 = tpu.memref_slice %arg2[%add3A_62] : memref<16384xi32, #tpu.memory_space<hbm>> -> memref<64xi32, #tpu.memory_space<hbm>>
      %dma_start3A_82 = tpu.memref_slice %arg2[%add3A_62] : memref<16384xi32, #tpu.memory_space<hbm>> -> memref<64xi32, #tpu.memory_space<hbm>>
      tpu.enqueue_dma source(%dma_start3A_82 : memref<64xi32, #tpu.memory_space<hbm>>) target(%arg5 : memref<64xi32, #tpu.memory_space<vmem>>) target_semaphore(%run_scoped3A : memref<!tpu.dma_semaphore, #tpu.memory_space<semaphore_mem>>)
      %dma_wait3A_83 = tpu.memref_slice %arg2[%add3A_62] : memref<16384xi32, #tpu.memory_space<hbm>> -> memref<64xi32, #tpu.memory_space<hbm>>
      %dma_wait3A_84 = tpu.memref_slice %arg2[%add3A_62] : memref<16384xi32, #tpu.memory_space<hbm>> -> memref<64xi32, #tpu.memory_space<hbm>>
      tpu.wait_dma2 semaphore(%run_scoped3A : memref<!tpu.dma_semaphore, #tpu.memory_space<semaphore_mem>>) src(%dma_wait3A_84 : memref<64xi32, #tpu.memory_space<hbm>>) dst(%arg5 : memref<64xi32, #tpu.memory_space<vmem>>)
      tpu.yield
    }) : () -> ()
    %dma_start3A_63 = arith.constant 0 : i32
    %dma_start3A_64 = arith.constant 0 : i32
    %dma_start3A_65 = tpu.memref_slice %arg3[%dma_start3A_63, %dma_start3A_64] : memref<1024x1024xf32, #tpu.memory_space<hbm>> -> memref<1024x1024xf32, #tpu.memory_space<hbm>>
    tpu.enqueue_indirect_dma source(%dma_start3A_65 : memref<1024x1024xf32, #tpu.memory_space<hbm>>) target(%arg6 : memref<64x1024xf32, #tpu.memory_space<vmem>>) offsets(%arg5 : memref<64xi32, #tpu.memory_space<vmem>>) semaphore(%arg7 : memref<!tpu.dma_semaphore, #tpu.memory_space<semaphore_mem>>)
    %dma_wait3A_66 = arith.constant 0 : i32
    %dma_wait3A_67 = arith.constant 0 : i32
    %dma_wait3A_68 = tpu.memref_slice %arg3[%dma_wait3A_66, %dma_wait3A_67] : memref<1024x1024xf32, #tpu.memory_space<hbm>> -> memref<1024x1024xf32, #tpu.memory_space<hbm>>
    tpu.wait_indirect_dma semaphore(%arg7 : memref<!tpu.dma_semaphore, #tpu.memory_space<semaphore_mem>>) src(%dma_wait3A_68 : memref<1024x1024xf32, #tpu.memory_space<hbm>>) dst(%arg6 : memref<64x1024xf32, #tpu.memory_space<vmem>>)
    %add3A_69 = arith.constant 384 : i32
    %add3A_70 = arith.addi %mul3A_2, %add3A_69 : i32
    "tpu.region"() ({
      %run_scoped3A = tpu.sem_alloc : memref<!tpu.dma_semaphore, #tpu.memory_space<semaphore_mem>>
      %dma_start3A_81 = arith.constant 0 : i32
      %dma_start3A_82 = tpu.memref_slice %arg4[%add3A_70, %dma_start3A_81] : memref<16384x1024xf32, #tpu.memory_space<hbm>> -> memref<64x1024xf32, #tpu.memory_space<hbm>>
      %dma_start3A_83 = arith.constant 0 : i32
      %dma_start3A_84 = tpu.memref_slice %arg4[%add3A_70, %dma_start3A_83] : memref<16384x1024xf32, #tpu.memory_space<hbm>> -> memref<64x1024xf32, #tpu.memory_space<hbm>>
      tpu.enqueue_dma source(%arg6 : memref<64x1024xf32, #tpu.memory_space<vmem>>) target(%dma_start3A_84 : memref<64x1024xf32, #tpu.memory_space<hbm>>) target_semaphore(%run_scoped3A : memref<!tpu.dma_semaphore, #tpu.memory_space<semaphore_mem>>)
      %dma_wait3A_85 = arith.constant 0 : i32
      %dma_wait3A_86 = tpu.memref_slice %arg4[%add3A_70, %dma_wait3A_85] : memref<16384x1024xf32, #tpu.memory_space<hbm>> -> memref<64x1024xf32, #tpu.memory_space<hbm>>
      %dma_wait3A_87 = arith.constant 0 : i32
      %dma_wait3A_88 = tpu.memref_slice %arg4[%add3A_70, %dma_wait3A_87] : memref<16384x1024xf32, #tpu.memory_space<hbm>> -> memref<64x1024xf32, #tpu.memory_space<hbm>>
      tpu.wait_dma2 semaphore(%run_scoped3A : memref<!tpu.dma_semaphore, #tpu.memory_space<semaphore_mem>>) src(%arg6 : memref<64x1024xf32, #tpu.memory_space<vmem>>) dst(%dma_wait3A_88 : memref<64x1024xf32, #tpu.memory_space<hbm>>)
      tpu.yield
    }) : () -> ()
    %add3A_71 = arith.constant 448 : i32
    %add3A_72 = arith.addi %mul3A_2, %add3A_71 : i32
    "tpu.region"() ({
      %run_scoped3A = tpu.sem_alloc : memref<!tpu.dma_semaphore, #tpu.memory_space<semaphore_mem>>
      %dma_start3A_81 = tpu.memref_slice %arg2[%add3A_72] : memref<16384xi32, #tpu.memory_space<hbm>> -> memref<64xi32, #tpu.memory_space<hbm>>
      %dma_start3A_82 = tpu.memref_slice %arg2[%add3A_72] : memref<16384xi32, #tpu.memory_space<hbm>> -> memref<64xi32, #tpu.memory_space<hbm>>
      tpu.enqueue_dma source(%dma_start3A_82 : memref<64xi32, #tpu.memory_space<hbm>>) target(%arg5 : memref<64xi32, #tpu.memory_space<vmem>>) target_semaphore(%run_scoped3A : memref<!tpu.dma_semaphore, #tpu.memory_space<semaphore_mem>>)
      %dma_wait3A_83 = tpu.memref_slice %arg2[%add3A_72] : memref<16384xi32, #tpu.memory_space<hbm>> -> memref<64xi32, #tpu.memory_space<hbm>>
      %dma_wait3A_84 = tpu.memref_slice %arg2[%add3A_72] : memref<16384xi32, #tpu.memory_space<hbm>> -> memref<64xi32, #tpu.memory_space<hbm>>
      tpu.wait_dma2 semaphore(%run_scoped3A : memref<!tpu.dma_semaphore, #tpu.memory_space<semaphore_mem>>) src(%dma_wait3A_84 : memref<64xi32, #tpu.memory_space<hbm>>) dst(%arg5 : memref<64xi32, #tpu.memory_space<vmem>>)
      tpu.yield
    }) : () -> ()
    %dma_start3A_73 = arith.constant 0 : i32
    %dma_start3A_74 = arith.constant 0 : i32
    %dma_start3A_75 = tpu.memref_slice %arg3[%dma_start3A_73, %dma_start3A_74] : memref<1024x1024xf32, #tpu.memory_space<hbm>> -> memref<1024x1024xf32, #tpu.memory_space<hbm>>
    tpu.enqueue_indirect_dma source(%dma_start3A_75 : memref<1024x1024xf32, #tpu.memory_space<hbm>>) target(%arg6 : memref<64x1024xf32, #tpu.memory_space<vmem>>) offsets(%arg5 : memref<64xi32, #tpu.memory_space<vmem>>) semaphore(%arg7 : memref<!tpu.dma_semaphore, #tpu.memory_space<semaphore_mem>>)
    %dma_wait3A_76 = arith.constant 0 : i32
    %dma_wait3A_77 = arith.constant 0 : i32
    %dma_wait3A_78 = tpu.memref_slice %arg3[%dma_wait3A_76, %dma_wait3A_77] : memref<1024x1024xf32, #tpu.memory_space<hbm>> -> memref<1024x1024xf32, #tpu.memory_space<hbm>>
    tpu.wait_indirect_dma semaphore(%arg7 : memref<!tpu.dma_semaphore, #tpu.memory_space<semaphore_mem>>) src(%dma_wait3A_78 : memref<1024x1024xf32, #tpu.memory_space<hbm>>) dst(%arg6 : memref<64x1024xf32, #tpu.memory_space<vmem>>)
    %add3A_79 = arith.constant 448 : i32
    %add3A_80 = arith.addi %mul3A_2, %add3A_79 : i32
    "tpu.region"() ({
      %run_scoped3A = tpu.sem_alloc : memref<!tpu.dma_semaphore, #tpu.memory_space<semaphore_mem>>
      %dma_start3A_81 = arith.constant 0 : i32
      %dma_start3A_82 = tpu.memref_slice %arg4[%add3A_80, %dma_start3A_81] : memref<16384x1024xf32, #tpu.memory_space<hbm>> -> memref<64x1024xf32, #tpu.memory_space<hbm>>
      %dma_start3A_83 = arith.constant 0 : i32
      %dma_start3A_84 = tpu.memref_slice %arg4[%add3A_80, %dma_start3A_83] : memref<16384x1024xf32, #tpu.memory_space<hbm>> -> memref<64x1024xf32, #tpu.memory_space<hbm>>
      tpu.enqueue_dma source(%arg6 : memref<64x1024xf32, #tpu.memory_space<vmem>>) target(%dma_start3A_84 : memref<64x1024xf32, #tpu.memory_space<hbm>>) target_semaphore(%run_scoped3A : memref<!tpu.dma_semaphore, #tpu.memory_space<semaphore_mem>>)
      %dma_wait3A_85 = arith.constant 0 : i32
      %dma_wait3A_86 = tpu.memref_slice %arg4[%add3A_80, %dma_wait3A_85] : memref<16384x1024xf32, #tpu.memory_space<hbm>> -> memref<64x1024xf32, #tpu.memory_space<hbm>>
      %dma_wait3A_87 = arith.constant 0 : i32
      %dma_wait3A_88 = tpu.memref_slice %arg4[%add3A_80, %dma_wait3A_87] : memref<16384x1024xf32, #tpu.memory_space<hbm>> -> memref<64x1024xf32, #tpu.memory_space<hbm>>
      tpu.wait_dma2 semaphore(%run_scoped3A : memref<!tpu.dma_semaphore, #tpu.memory_space<semaphore_mem>>) src(%arg6 : memref<64x1024xf32, #tpu.memory_space<vmem>>) dst(%dma_wait3A_88 : memref<64x1024xf32, #tpu.memory_space<hbm>>)
      tpu.yield
    }) : () -> ()
    return
  }
}

module attributes {stable_mosaic.version = 14 : i64} {
  func.func @_vq_body(%arg0: i32, %arg1: memref<2048x64xf32, #tpu.memory_space<vmem>>, %arg2: memref<64x1024xf32, #tpu.memory_space<vmem>>, %arg3: memref<1024x64xf32, #tpu.memory_space<vmem>>, %arg4: memref<2048x1xi32, #tpu.memory_space<vmem>>, %arg5: memref<2048x64xf32, #tpu.memory_space<vmem>>, %arg6: memref<1x1xf32, #tpu.memory_space<vmem>>, %arg7: memref<1x1xf32, #tpu.memory_space<vmem>>, %arg8: memref<1x1024xf32, #tpu.memory_space<vmem>>, %arg9: memref<1x1024xf32, #tpu.memory_space<vmem>>, %arg10: memref<1xf32, #tpu.memory_space<smem>>) attributes {dimension_semantics = [#tpu.dimension_semantics<arbitrary>], iteration_bounds = array<i64: 8>, scalar_prefetch = 0 : i64, scratch_operands = 3 : i64, tpu.core_type = #tpu.core_type<tc>, window_params = [{transform_indices = @transform_0, window_bounds = array<i64: 2048, 64>}, {pipeline_mode = #tpu.pipeline_mode<synchronous>, transform_indices = @transform_1, window_bounds = array<i64: 64, 1024>}, {pipeline_mode = #tpu.pipeline_mode<synchronous>, transform_indices = @transform_2, window_bounds = array<i64: 1024, 64>}, {transform_indices = @transform_3, window_bounds = array<i64: 2048, 1>}, {transform_indices = @transform_4, window_bounds = array<i64: 2048, 64>}, {pipeline_mode = #tpu.pipeline_mode<synchronous>, transform_indices = @transform_5, window_bounds = array<i64: 1, 1>}, {pipeline_mode = #tpu.pipeline_mode<synchronous>, transform_indices = @transform_6, window_bounds = array<i64: 1, 1>}]} {
    %eq3A = arith.constant 0 : i32
    %eq3A_0 = arith.cmpi eq, %arg0, %eq3A : i32
    %convert_element_type3A = arith.extui %eq3A_0 : i1 to i32
    %cond3A = arith.constant 0 : i32
    %cond3A_1 = arith.cmpi ne, %convert_element_type3A, %cond3A : i32
    scf.if %cond3A_1 {
      %get3A_74 = arith.constant 0 : index
      %get3A_75 = arith.constant 0 : index
      %get3A_76 = vector.load %arg2[%get3A_74, %get3A_75] : memref<64x1024xf32, #tpu.memory_space<vmem>>, vector<64x1024xf32>
      %mul3A_77 = arith.mulf %get3A_76, %get3A_76 : vector<64x1024xf32>
      %reduce_sum3A_78 = arith.constant dense<0.000000e+00> : vector<1024xf32>
      %reduce_sum3A_79 = vector.multi_reduction <add>, %mul3A_77, %reduce_sum3A_78 [0] : vector<64x1024xf32> to vector<1024xf32>
      %broadcast_in_dim3A_80 = vector.shape_cast %reduce_sum3A_79 : vector<1024xf32> to vector<1x1024xf32>
      %swap3A_81 = arith.constant 0 : index
      %swap3A_82 = arith.constant 0 : index
      %swap3A_83 = vector.load %arg8[%swap3A_81, %swap3A_82] : memref<1x1024xf32, #tpu.memory_space<vmem>>, vector<1x1024xf32>
      tpu.vector_store %arg8[%swap3A_81, %swap3A_82], %broadcast_in_dim3A_80 {strides = array<i32>} : memref<1x1024xf32, #tpu.memory_space<vmem>>, vector<1x1024xf32>,
      %broadcast_in_dim3A_84 = arith.constant 0.000000e+00 : f32
      %broadcast_in_dim3A_85 = vector.broadcast %broadcast_in_dim3A_84 : f32 to vector<1x1024xf32>
      %swap3A_86 = arith.constant 0 : index
      %swap3A_87 = arith.constant 0 : index
      %swap3A_88 = vector.load %arg9[%swap3A_86, %swap3A_87] : memref<1x1024xf32, #tpu.memory_space<vmem>>, vector<1x1024xf32>
      tpu.vector_store %arg9[%swap3A_86, %swap3A_87], %broadcast_in_dim3A_85 {strides = array<i32>} : memref<1x1024xf32, #tpu.memory_space<vmem>>, vector<1x1024xf32>,
      %swap3A_89 = arith.constant 0.000000e+00 : f32
      %swap3A_90 = arith.constant 0 : index
      %swap3A_91 = memref.load %arg10[%swap3A_90] : memref<1xf32, #tpu.memory_space<smem>>
      memref.store %swap3A_89, %arg10[%swap3A_90] : memref<1xf32, #tpu.memory_space<smem>>
    } else {
    }
    %get3A = arith.constant 0 : index
    %get3A_2 = arith.constant 0 : index
    %get3A_3 = vector.load %arg1[%get3A, %get3A_2] : memref<2048x64xf32, #tpu.memory_space<vmem>>, vector<2048x64xf32>
    %mul3A = arith.mulf %get3A_3, %get3A_3 : vector<2048x64xf32>
    %reduce_sum3A = arith.constant dense<0.000000e+00> : vector<2048xf32>
    %reduce_sum3A_4 = vector.multi_reduction <add>, %mul3A, %reduce_sum3A [1] : vector<2048x64xf32> to vector<2048xf32>
    %broadcast_in_dim3A = vector.shape_cast %reduce_sum3A_4 : vector<2048xf32> to vector<2048x1xf32>
    %mul3A_5 = arith.constant -2.000000e+00 : f32
    %mul3A_6 = vector.broadcast %mul3A_5 : f32 to vector<2048x64xf32>
    %mul3A_7 = arith.mulf %get3A_3, %mul3A_6 : vector<2048x64xf32>
    %get3A_8 = arith.constant 0 : index
    %get3A_9 = arith.constant 0 : index
    %get3A_10 = vector.load %arg2[%get3A_8, %get3A_9] : memref<64x1024xf32, #tpu.memory_space<vmem>>, vector<64x1024xf32>
    %dot_general3A = arith.constant dense<0.000000e+00> : vector<2048x1024xf32>
    %dot_general3A_11 = tpu.matmul %mul3A_7, %get3A_10, %dot_general3A {dimension_numbers = #tpu.dot_dimension_numbers<[1], [0], [0], [1], [0, 0, 1, 1], [], []>, transpose_lhs_hint = false} : vector<2048x64xf32>, vector<64x1024xf32>, vector<2048x1024xf32> -> vector<2048x1024xf32>
    %get3A_12 = arith.constant 0 : index
    %get3A_13 = arith.constant 0 : index
    %get3A_14 = vector.load %arg8[%get3A_12, %get3A_13] : memref<1x1024xf32, #tpu.memory_space<vmem>>, vector<1x1024xf32>
    %add3A = vector.broadcast %broadcast_in_dim3A : vector<2048x1xf32> to vector<2048x1024xf32>
    %add3A_15 = vector.broadcast %get3A_14 : vector<1x1024xf32> to vector<2048x1024xf32>
    %add3A_16 = arith.addf %add3A, %add3A_15 : vector<2048x1024xf32>
    %add3A_17 = arith.addf %add3A_16, %dot_general3A_11 : vector<2048x1024xf32>
    %reduce_min3A = arith.constant dense<0x7F800000> : vector<2048xf32>
    %reduce_min3A_18 = vector.multi_reduction <minimumf>, %add3A_17, %reduce_min3A [1] : vector<2048x1024xf32> to vector<2048xf32>
    %broadcast_in_dim3A_19 = vector.shape_cast %reduce_min3A_18 : vector<2048xf32> to vector<2048x1xf32>
    %iota3A = tpu.iota {dimensions = array<i32: 1>} : vector<1x1024xi32>
    %convert_element_type3A_20 = arith.sitofp %iota3A : vector<1x1024xi32> to vector<1x1024xf32>
    %eq3A_21 = vector.broadcast %broadcast_in_dim3A_19 : vector<2048x1xf32> to vector<2048x1024xf32>
    %eq3A_22 = arith.cmpf oeq, %add3A_17, %eq3A_21 : vector<2048x1024xf32>
    %jit3A = arith.constant 1.024000e+03 : f32
    %broadcast_in_dim3A_23 = vector.shape_cast %convert_element_type3A_20 : vector<1x1024xf32> to vector<1x1024xf32>
    %broadcast_in_dim3A_24 = vector.broadcast %broadcast_in_dim3A_23 : vector<1x1024xf32> to vector<2048x1024xf32>
    %broadcast_in_dim3A_25 = vector.broadcast %jit3A : f32 to vector<2048x1024xf32>
    %select_n3A = arith.select %eq3A_22, %broadcast_in_dim3A_24, %broadcast_in_dim3A_25 : vector<2048x1024xi1>, vector<2048x1024xf32>
    %reduce_min3A_26 = arith.constant dense<0x7F800000> : vector<2048xf32>
    %reduce_min3A_27 = vector.multi_reduction <minimumf>, %select_n3A, %reduce_min3A_26 [1] : vector<2048x1024xf32> to vector<2048xf32>
    %broadcast_in_dim3A_28 = vector.shape_cast %reduce_min3A_27 : vector<2048xf32> to vector<2048x1xf32>
    %eq3A_29 = vector.broadcast %broadcast_in_dim3A_28 : vector<2048x1xf32> to vector<2048x1024xf32>
    %eq3A_30 = arith.cmpf oeq, %select_n3A, %eq3A_29 : vector<2048x1024xf32>
    %jit3A_31 = arith.constant 1.000000e+00 : f32
    %jit3A_32 = arith.constant 0.000000e+00 : f32
    %broadcast_in_dim3A_33 = vector.broadcast %jit3A_31 : f32 to vector<2048x1024xf32>
    %broadcast_in_dim3A_34 = vector.broadcast %jit3A_32 : f32 to vector<2048x1024xf32>
    %select_n3A_35 = arith.select %eq3A_30, %broadcast_in_dim3A_33, %broadcast_in_dim3A_34 : vector<2048x1024xi1>, vector<2048x1024xf32>
    %convert_element_type3A_36 = arith.fptosi %broadcast_in_dim3A_28 : vector<2048x1xf32> to vector<2048x1xi32>
    %swap3A = arith.constant 0 : index
    %swap3A_37 = arith.constant 0 : index
    %swap3A_38 = vector.load %arg4[%swap3A, %swap3A_37] : memref<2048x1xi32, #tpu.memory_space<vmem>>, vector<2048x1xi32>
    tpu.vector_store %arg4[%swap3A, %swap3A_37], %convert_element_type3A_36 {strides = array<i32>} : memref<2048x1xi32, #tpu.memory_space<vmem>>, vector<2048x1xi32>,
    %get3A_39 = arith.constant 0 : index
    %get3A_40 = arith.constant 0 : index
    %get3A_41 = vector.load %arg3[%get3A_39, %get3A_40] : memref<1024x64xf32, #tpu.memory_space<vmem>>, vector<1024x64xf32>
    %dot_general3A_42 = arith.constant dense<0.000000e+00> : vector<2048x64xf32>
    %dot_general3A_43 = tpu.matmul %select_n3A_35, %get3A_41, %dot_general3A_42 {dimension_numbers = #tpu.dot_dimension_numbers<[1], [0], [0], [1], [0, 0, 1, 1], [], []>, transpose_lhs_hint = false} : vector<2048x1024xf32>, vector<1024x64xf32>, vector<2048x64xf32> -> vector<2048x64xf32>
    %swap3A_44 = arith.constant 0 : index
    %swap3A_45 = arith.constant 0 : index
    %swap3A_46 = vector.load %arg5[%swap3A_44, %swap3A_45] : memref<2048x64xf32, #tpu.memory_space<vmem>>, vector<2048x64xf32>
    tpu.vector_store %arg5[%swap3A_44, %swap3A_45], %dot_general3A_43 {strides = array<i32>} : memref<2048x64xf32, #tpu.memory_space<vmem>>, vector<2048x64xf32>,
    %sub3A = arith.subf %dot_general3A_43, %get3A_3 : vector<2048x64xf32>
    %get3A_47 = arith.constant 0 : index
    %get3A_48 = memref.load %arg10[%get3A_47] : memref<1xf32, #tpu.memory_space<smem>>
    %mul3A_49 = arith.mulf %sub3A, %sub3A : vector<2048x64xf32>
    %reduce_sum3A_50 = vector.shape_cast %mul3A_49 : vector<2048x64xf32> to vector<1x2048x64xf32>
    %reduce_sum3A_51 = arith.constant dense<0.000000e+00> : vector<1xf32>
    %reduce_sum3A_52 = vector.multi_reduction <add>, %reduce_sum3A_50, %reduce_sum3A_51 [1, 2] : vector<1x2048x64xf32> to vector<1xf32>
    %reduce_sum3A_53 = vector.shape_cast %reduce_sum3A_52 : vector<1xf32> to vector<1x1x1xf32>
    %reduce_sum3A_54 = vector.extract %reduce_sum3A_53[0, 0, 0] : f32 from vector<1x1x1xf32>
    %add3A_55 = arith.addf %get3A_48, %reduce_sum3A_54 : f32
    %swap3A_56 = arith.constant 0 : index
    %swap3A_57 = memref.load %arg10[%swap3A_56] : memref<1xf32, #tpu.memory_space<smem>>
    memref.store %add3A_55, %arg10[%swap3A_56] : memref<1xf32, #tpu.memory_space<smem>>
    %broadcast_in_dim3A_58 = arith.constant 1.000000e+00 : f32
    %broadcast_in_dim3A_59 = vector.broadcast %broadcast_in_dim3A_58 : f32 to vector<1x2048xf32>
    %get3A_60 = arith.constant 0 : index
    %get3A_61 = arith.constant 0 : index
    %get3A_62 = vector.load %arg9[%get3A_60, %get3A_61] : memref<1x1024xf32, #tpu.memory_space<vmem>>, vector<1x1024xf32>
    %dot_general3A_63 = arith.constant dense<0.000000e+00> : vector<1x1024xf32>
    %dot_general3A_64 = tpu.matmul %broadcast_in_dim3A_59, %select_n3A_35, %dot_general3A_63 {dimension_numbers = #tpu.dot_dimension_numbers<[1], [0], [0], [1], [0, 0, 1, 1], [], []>, transpose_lhs_hint = false} : vector<1x2048xf32>, vector<2048x1024xf32>, vector<1x1024xf32> -> vector<1x1024xf32>
    %add3A_65 = arith.addf %get3A_62, %dot_general3A_64 : vector<1x1024xf32>
    %swap3A_66 = arith.constant 0 : index
    %swap3A_67 = arith.constant 0 : index
    %swap3A_68 = vector.load %arg9[%swap3A_66, %swap3A_67] : memref<1x1024xf32, #tpu.memory_space<vmem>>, vector<1x1024xf32>
    tpu.vector_store %arg9[%swap3A_66, %swap3A_67], %add3A_65 {strides = array<i32>} : memref<1x1024xf32, #tpu.memory_space<vmem>>, vector<1x1024xf32>,
    %eq3A_69 = arith.constant 7 : i32
    %eq3A_70 = arith.cmpi eq, %arg0, %eq3A_69 : i32
    %convert_element_type3A_71 = arith.extui %eq3A_70 : i1 to i32
    %cond3A_72 = arith.constant 0 : i32
    %cond3A_73 = arith.cmpi ne, %convert_element_type3A_71, %cond3A_72 : i32
    scf.if %cond3A_73 {
      %get3A_74 = arith.constant 0 : index
      %get3A_75 = memref.load %arg10[%get3A_74] : memref<1xf32, #tpu.memory_space<smem>>
      %div3A = arith.constant 0x49800000 : f32
      %div3A_76 = arith.divf %get3A_75, %div3A : f32
      %mul3A_77 = arith.constant 2.500000e-01 : f32
      %mul3A_78 = arith.mulf %mul3A_77, %div3A_76 : f32
      %add3A_79 = arith.addf %div3A_76, %mul3A_78 : f32
      %broadcast_in_dim3A_80 = vector.broadcast %add3A_79 : f32 to vector<1x1xf32>
      %swap3A_81 = arith.constant 0 : index
      %swap3A_82 = arith.constant 0 : index
      %swap3A_83 = vector.load %arg6[%swap3A_81, %swap3A_82] : memref<1x1xf32, #tpu.memory_space<vmem>>, vector<1x1xf32>
      tpu.vector_store %arg6[%swap3A_81, %swap3A_82], %broadcast_in_dim3A_80 {strides = array<i32>} : memref<1x1xf32, #tpu.memory_space<vmem>>, vector<1x1xf32>,
      %get3A_84 = arith.constant 0 : index
      %get3A_85 = arith.constant 0 : index
      %get3A_86 = vector.load %arg9[%get3A_84, %get3A_85] : memref<1x1024xf32, #tpu.memory_space<vmem>>, vector<1x1024xf32>
      %div3A_87 = arith.constant 1.638400e+04 : f32
      %div3A_88 = vector.broadcast %div3A_87 : f32 to vector<1x1024xf32>
      %div3A_89 = arith.divf %get3A_86, %div3A_88 : vector<1x1024xf32>
      %add3A_90 = arith.constant 1.000000e-10 : f32
      %add3A_91 = vector.broadcast %add3A_90 : f32 to vector<1x1024xf32>
      %add3A_92 = arith.addf %div3A_89, %add3A_91 : vector<1x1024xf32>
      %log3A = math.log %add3A_92 : vector<1x1024xf32>
      %mul3A_93 = arith.mulf %div3A_89, %log3A : vector<1x1024xf32>
      %reduce_sum3A_94 = vector.shape_cast %mul3A_93 : vector<1x1024xf32> to vector<1x1x1024xf32>
      %reduce_sum3A_95 = arith.constant dense<0.000000e+00> : vector<1xf32>
      %reduce_sum3A_96 = vector.multi_reduction <add>, %reduce_sum3A_94, %reduce_sum3A_95 [1, 2] : vector<1x1x1024xf32> to vector<1xf32>
      %reduce_sum3A_97 = vector.shape_cast %reduce_sum3A_96 : vector<1xf32> to vector<1x1x1xf32>
      %reduce_sum3A_98 = vector.extract %reduce_sum3A_97[0, 0, 0] : f32 from vector<1x1x1xf32>
      %broadcast_in_dim3A_99 = vector.broadcast %reduce_sum3A_98 : f32 to vector<1x1xf32>
      %neg3A = arith.constant 0.000000e+00 : f32
      %neg3A_100 = vector.broadcast %neg3A : f32 to vector<1x1xf32>
      %neg3A_101 = arith.subf %neg3A_100, %broadcast_in_dim3A_99 : vector<1x1xf32>
      %exp3A = math.exp %neg3A_101 : vector<1x1xf32>
      %swap3A_102 = arith.constant 0 : index
      %swap3A_103 = arith.constant 0 : index
      %swap3A_104 = vector.load %arg7[%swap3A_102, %swap3A_103] : memref<1x1xf32, #tpu.memory_space<vmem>>, vector<1x1xf32>
      tpu.vector_store %arg7[%swap3A_102, %swap3A_103], %exp3A {strides = array<i32>} : memref<1x1xf32, #tpu.memory_space<vmem>>, vector<1x1xf32>,
    } else {
    }
    return
  }
  func.func @transform_0(%arg0: i32) -> (i32, i32) {
    %c0_i32 = arith.constant 0 : i32
    %c0_i32_0 = arith.constant 0 : i32
    return %arg0, %c0_i32 : i32, i32
  }
  func.func @transform_1(%arg0: i32) -> (i32, i32) {
    %c0_i32 = arith.constant 0 : i32
    %c0_i32_0 = arith.constant 0 : i32
    %c0_i32_1 = arith.constant 0 : i32
    return %c0_i32, %c0_i32_0 : i32, i32
  }
  func.func @transform_2(%arg0: i32) -> (i32, i32) {
    %c0_i32 = arith.constant 0 : i32
    %c0_i32_0 = arith.constant 0 : i32
    %c0_i32_1 = arith.constant 0 : i32
    return %c0_i32, %c0_i32_0 : i32, i32
  }
  func.func @transform_3(%arg0: i32) -> (i32, i32) {
    %c0_i32 = arith.constant 0 : i32
    %c0_i32_0 = arith.constant 0 : i32
    return %arg0, %c0_i32 : i32, i32
  }
  func.func @transform_4(%arg0: i32) -> (i32, i32) {
    %c0_i32 = arith.constant 0 : i32
    %c0_i32_0 = arith.constant 0 : i32
    return %arg0, %c0_i32 : i32, i32
  }
  func.func @transform_5(%arg0: i32) -> (i32, i32) {
    %c0_i32 = arith.constant 0 : i32
    %c0_i32_0 = arith.constant 0 : i32
    %c0_i32_1 = arith.constant 0 : i32
    return %c0_i32, %c0_i32_0 : i32, i32
  }
  func.func @transform_6(%arg0: i32) -> (i32, i32) {
    %c0_i32 = arith.constant 0 : i32
    %c0_i32_0 = arith.constant 0 : i32
    %c0_i32_1 = arith.constant 0 : i32
    return %c0_i32, %c0_i32_0 : i32, i32
  }
}

</mosaic_0001>

<sc_bundles>
// kernel: kernel.4.cloned.1.call-start
scs
__scs_entry_jumppad:
0x0: {  	(pc) =	sbr.rel $0x88, $3  }
0x1: {  	(tag) =	ssettag $0x0;
	lr =	simm.s32 $0x1  }
0x2: {  	[smem:$0x3F9F] =	sst lr;
	_ =	strace $0xD0000000  }
0x3: {  	_ = 	snop  }
0x4: {  	_ = 	snop  }
0x5: {  	_ = 	snop  }
0x6: {  	_ = 	snop  }
0x7: {  	_ = 	snop  }
__scs_overlays_trampoline_lowered:
0x8: {  	[smem:$0x3FAE] =	sst s0  }
0x9: {  	[smem:$0x3FAF] =	sst s1  }
0xa: {  	[smem:$0x3FB0] =	sst s2  }
0xb: {  	[smem:$0x3FB1] =	sst s3  }
0xc: {  	[smem:$0x3FB2] =	sst s4  }
0xd: {  	[smem:$0x3FB3] =	sst s5  }
0xe: {  	[smem:$0x3FB4] =	sst s6  }
0xf: {  	[smem:$0x3FB5] =	sst s7  }
0x10: {  	[smem:$0x3FB6] =	sst s8  }
0x11: {  	[smem:$0x3FB7] =	sst s9;
	s0 =	simm.s32 @!p0 $0x0  }
0x12: {  	s1 =	sld [smem:$0x3F9D];
	s0 =	simm.s32 @p0 $0x1  }
0x13: {  	[smem:$0x3FB8] =	sst s0;
	s0 =	simm.s32 @!p1 $0x0  }
0x14: {  	s2 =	sld [smem:$0x3F9C];
	s0 =	simm.s32 @p1 $0x1  }
0x15: {  	[smem:$0x3FB9] =	sst s0;
	s0 =	simm.s32 @!p2 $0x0  }
0x16: {  	s3 =	sld [smem:$0x3FDB];
	s0 =	simm.s32 @p2 $0x1  }
0x17: {  	s4 =	simm.s32 $0x1BF5;
	[smem:$0x3FBB] =	sst s0  }
0x18: {  	s0 =	sld [smem:$0x3F9E];
	_ =	swait.ge [sflag:s4], $0x0  }
0x19: {  	s7 =	sld [smem:$0x3F9F]  }
0x1a: {  	s8 =	sadd.s32 $0xFFFFE003, lr  }
0x1b: {  	s9 =	sadd.s32 $0xFFFFFEF7, lr;
	s5 =	simm.s32 $0xFFFFFFFF;
	p2 =	slt.u32 s8, $0xFFFFF086  }
0x1c: {  	p1 =	slt.u32 s9, $0xF7A;
	s5 =	simm.s32 @!p2 $0x0  }
0x1d: {  	s5 =	simm.s32 @p1 $0x1;
	p0 =	seq.s32 s7, s2  }
0x1e: {  	s7 =	smul.u32 @!p0 $0xF7A, s2;
	p2 =	seq.s32 @!p0 s5, $0x0  }
0x1f: {  	s9 =	smul.u32 $0xF7A, s1;
	s8 =	simm.s32 @!p0 $0x1BF5;
	p2 =	por !p2, p0  }
0x20: {  	[sflag:s8] =	ssyncset.s32 @!p0 $0xFFFFF086;
	s6 =	sadd.s32 @!p0 s3, s7;
	s7 =	simm.s32 @!p0 $0x108  }
0x21: {  	s3 =	sadd.s32 s3, s9;
	s6 =	sadd.s32 @!p0 $0x88, s6;
	s7 =	simm.s32 @p2 $0x1082  }
0x22: {  	[simem:s7], [sflag:s8] =	dma.local @!p0 [hbm:s6], $0xF7A  }
0x23: {  	s9 =	sor.u32 $0xD0000000, s2;
	s6 =	simm.s32 $0x108;
	_ =	swait.ge @!p0 [sflag:s8], $0x0  }
0x24: {  	s3 =	sadd.s32 $0x88, s3;
	s6 =	simm.s32 @!p1 $0x1082;
	[sflag:s4] =	ssyncset.s32 $0xFFFFF086  }
0x25: {  	[simem:s6], [sflag:s4] =	dma.local [hbm:s3], $0xF7A  }
0x26: {  	[smem:$0x3F9F] =	sst s1;
	(tag) =	ssettag s2;
	_ =	strace s9  }
0x27: {  	s1 =	sld [smem:$0x3FAF]  }
0x28: {  	s2 =	sld [smem:$0x3FB0]  }
0x29: {  	s4 =	sld [smem:$0x3FB2]  }
0x2a: {  	p0 =	seq.s32 s5, $0x0;
	s5 =	sld [smem:$0x3FB3]  }
0x2b: {  	s6 =	sld [smem:$0x3FB4]  }
0x2c: {  	s7 =	sld [smem:$0x3FB5]  }
0x2d: {  	s3 =	simm.s32 $0x108;
	s8 =	sld [smem:$0x3FB6]  }
0x2e: {  	s3 =	simm.s32 @!p0 $0x1082;
	s9 =	sld [smem:$0x3FB7]  }
0x2f: {  	lr =	sadd.s32 s0, s3;
	s0 =	sld [smem:$0x3FAE]  }
0x30: {  	s3 =	sld [smem:$0x3FB1]  }
0x31: {  	[smem:$0x3FBA] =	sst s10  }
0x32: {  	s10 =	sld [smem:$0x3FB8];
	_ =	sdelay $0x3  }
0x33: {  	p0 =	seq.s32 s10, $0x1;
	s10 =	sld [smem:$0x3FBA];
	_ =	sdelay $0x3  }
0x34: {  	[smem:$0x3FBA] =	sst s10  }
0x35: {  	s10 =	sld [smem:$0x3FB9];
	_ =	sdelay $0x3  }
0x36: {  	p1 =	seq.s32 s10, $0x1;
	s10 =	sld [smem:$0x3FBA];
	_ =	sdelay $0x3  }
0x37: {  	[smem:$0x3FBA] =	sst s10  }
0x38: {  	s10 =	sld [smem:$0x3FBB]  }
0x39: {  	_ = 	snop;
	(pc) =	sbr.ind lr, $3  }
0x3a: {  	_ = 	snop  }
0x3b: {  	_ = 	snop  }
0x3c: {  	p2 =	seq.s32 s10, $0x1;
	s10 =	sld [smem:$0x3FBA]  }
0x3d: {  	_ =	shalt  }
0x3e: {  	_ =	shalt  }
0x3f: {  	_ =	shalt  }
0x40: {  	_ =	shalt  }
0x41: {  	_ =	shalt  }
0x42: {  	_ =	shalt  }
0x43: {  	_ =	shalt  }
0x44: {  	_ =	shalt  }
0x45: {  	_ =	shalt  }
0x46: {  	_ =	shalt  }
0x47: {  	_ =	shalt  }
0x48: {  	_ =	shalt  }
0x49: {  	_ =	shalt  }
0x4a: {  	_ =	shalt  }
0x4b: {  	_ =	shalt  }
0x4c: {  	_ =	shalt  }
0x4d: {  	_ =	shalt  }
0x4e: {  	_ =	shalt  }
0x4f: {  	_ =	shalt  }
0x50: {  	_ =	shalt  }
0x51: {  	_ =	shalt  }
0x52: {  	_ =	shalt  }
0x53: {  	_ =	shalt  }
0x54: {  	_ =	shalt  }
0x55: {  	_ =	shalt  }
0x56: {  	_ =	shalt  }
0x57: {  	_ =	shalt  }
0x58: {  	_ =	shalt  }
0x59: {  	_ =	shalt  }
0x5a: {  	_ =	shalt  }
0x5b: {  	_ =	shalt  }
0x5c: {  	_ =	shalt  }
0x5d: {  	_ =	shalt  }
0x5e: {  	_ =	shalt  }
0x5f: {  	_ =	shalt  }
0x60: {  	_ =	shalt  }
0x61: {  	_ =	shalt  }
0x62: {  	_ =	shalt  }
0x63: {  	_ =	shalt  }
0x64: {  	_ =	shalt  }
0x65: {  	_ =	shalt  }
0x66: {  	_ =	shalt  }
0x67: {  	_ =	shalt  }
0x68: {  	_ =	shalt  }
0x69: {  	_ =	shalt  }
0x6a: {  	_ =	shalt  }
0x6b: {  	_ =	shalt  }
0x6c: {  	_ =	shalt  }
0x6d: {  	_ =	shalt  }
0x6e: {  	_ =	shalt  }
0x6f: {  	_ =	shalt  }
0x70: {  	_ =	shalt  }
0x71: {  	_ =	shalt  }
0x72: {  	_ =	shalt  }
0x73: {  	_ =	shalt  }
0x74: {  	_ =	shalt  }
0x75: {  	_ =	shalt  }
0x76: {  	_ =	shalt  }
0x77: {  	_ =	shalt  }
0x78: {  	_ =	shalt  }
0x79: {  	_ =	shalt  }
0x7a: {  	_ =	shalt  }
0x7b: {  	_ =	shalt  }
0x7c: {  	_ =	shalt  }
0x7d: {  	_ =	shalt  }
0x7e: {  	_ =	shalt  }
0x7f: {  	_ =	shalt  }
0x80: {  	_ =	shalt  }
0x81: {  	_ =	shalt  }
0x82: {  	_ =	shalt  }
0x83: {  	_ =	shalt  }
0x84: {  	_ =	shalt  }
0x85: {  	_ =	shalt  }
0x86: {  	_ =	shalt  }
0x87: {  	_ =	shalt  }
.Lfunc_end0:
.L_simem_size_0:
called_computation_lowered:
.L_overlay_start_0:
0x88: {  	s2 =	sld [smem:$0x3FD9]  }
0x89: {  	s3 =	sld [smem:$0x3FFE];
	_ =	sdelay $0x1  }
0x8a: {  	s1 =	srdreg.scid  }
0x8b: {  	s0 =	sand.u32 $0x1, s1  }
0x8c: {  	s14 =	sshll.u32 s0, $0xA;
	s2 =	sadd.s32 s3, s2  }
0x8d: {  	s2 =	sadd.s32 s2, s14  }
0x8e: {  	[smem:$0x3FC6] =	sst s2  }
0x8f: {  	_ = 	snop  }
0x90: {  	s2 =	sld [smem:$0x3FD0];
	_ =	sdelay $0x2  }
0x91: {  	s15 =	simm.s32 $0xA;
	s4 =	simm.s32 $0x10  }
0x92: {  	[smem:s4], [sflag:s15] =	dma.local [hbm:s2], $0x1  }
0x93: {  	_ =	swait.eq [sflag:s15], $0x1  }
0x94: {  	[sflag:s15] =	ssyncset.done $0x0  }
0x95: {  	[sflag:s15] =	ssyncadd.s32 $0xFFFFFFFF  }
0x96: {  	s16 =	sld [smem:$0x13];
	(tm) =	ssettm $0x1  }
0x97: {  	s17 =	sld [smem:$0x3FFB];
	_ =	sdelay $0x3  }
0x98: {  	_ =	strace s17  }
0x99: {  	s3 =	sld [smem:$0x3FFC];
	_ =	sdelay $0x3  }
0x9a: {  	_ =	strace s3  }
0x9b: {  	s3 =	sld [smem:$0x3FFD];
	_ =	sdelay $0x3  }
0x9c: {  	_ =	strace s3  }
0x9d: {  	_ =	strace $0x8FFFFFFF  }
0x9e: {  	s18 =	sld [smem:$0x3FDB];
	_ =	sdelay $0x1  }
0x9f: {  	s19 =	simm.s32 $_scs_section_size  }
0xa0: {  	s5 =	simm.s32 $_size__tile_overlayer_lowered;
	s6 =	simm.s32 $_tile_overlayer_lowered  }
0xa1: {  	s22 =	simm.s32 $0x1BFF;
	s21 =	sshll.u32 s6, $0x1;
	s3 =	sadd.s32 s19, s18  }
0xa2: {  	s7 =	simm.s32 $0x0;
	s20 =	sshll.u32 s5, $0x1;
	s5 =	sadd.s32 s21, s3  }
0xa3: {  	[timem:s7], [sflag:s22] =	dma.local [hbm:s5], s20  }
0xa4: {  	_ =	swait.ge [sflag:s22], s20  }
0xa5: {  	s4 =	ssub.s32 $0x0, s20;
	[sflag:s22] =	ssyncset.done $0x0  }
0xa6: {  	[sflag:s22] =	ssyncadd.s32 s4;
	_ =	sdelay $0x1  }
0xa7: {  	s23 =	simm.s32 $0x1B8B  }
0xa8: {  	_ =	swait.ge [sflag:s23], $0x1  }
0xa9: {  	[sflag:s23] =	ssyncset.done $0x0  }
0xaa: {  	s25 =	simm.s32 $0x1B8E;
	s24 =	sld [smem:$0x3FFE];
	[sflag:s23] =	ssyncadd.s32 $0xFFFFFFFF  }
0xab: {  	s26 =	simm.s32 $execute0_lowered;
	[smem:$0x3FD2] =	sst s25  }
0xac: {  	s5 =	sshll.u32 s26, $0x1;
	_ =	strace $0x80000046;
	[dreg:$0x1] =	wrdreg $0xFFFFFFFF  }
0xad: {  	s28 =	simm.s32 $_size_execute0_lowered;
	s3 =	sadd.s32 s3, s5;
	[dreg:$0x0] =	wrdreg $0x0  }
0xae: {  	s5 =	sshll.u32 s28, $0x1;
	[dreg:$0x2] =	wrdreg s3  }
0xaf: {  	[dreg:$0x3] =	wrdreg s5  }
0xb0: {  	[dreg:$0x4] =	wrdreg $0xC0  }
0xb1: {  	_ =	task [dreg:s7], $0x5FFFF  }
0xb2: {  	[dreg:$0x1] =	wrdreg $0xFFFFFFFF  }
0xb3: {  	[dreg:$0x0] =	wrdreg $0x60  }
0xb4: {  	[dreg:$0x2] =	wrdreg s24  }
0xb5: {  	[dreg:$0x3] =	wrdreg s16  }
0xb6: {  	[dreg:$0x4] =	wrdreg $0x9  }
0xb7: {  	_ =	task.clear_ibuf [dreg:s7], $0x5FFFF;
	_ =	strace $0x90000046  }
0xb8: {  	s29 =	simm.s32 $0x9;
	_ =	strace $0x80000048  }
0xb9: {  	_ =	swait.ge [sflag:s29], $0x1  }
0xba: {  	[sflag:s29] =	ssyncadd.s32 $0xFFFFFFFF  }
0xbb: {  	_ =	strace $0x90000048  }
0xbc: {  	_ =	sfence  }
0xbd: {  	s30 =	sld [smem:$0x0];
	_ =	sdelay $0x2  }
0xbe: {  	s31 =	sshll.u32 s1, $0xD;
	s1 =	sshrl.u32 s1, $0x2  }
0xbf: {  	s3 =	sand.u32 $0x4000, s31;
	s1 =	sadd.s32 s1, s30  }
0xc0: {  	s0 =	sor.u32 s3, s0;
	s1 =	sshll.u32 s1, $0x11  }
0xc1: {  	s0 =	sor.u32 s1, s0  }
0xc2: {  	s0 =	sadd.s32 $0x8F2B, s0  }
0xc3: {  	[sflag:s0] =	ssyncadd.remote.s32 $0x1  }
0xc4: {  	_ =	sfence.sel $0xFFFF  }
0xc5: {  	[dreg:$0x0] =	wrdreg $0xFFFFFFFF;
	(pc) =	sbr.abs _section_cstart, $3  }
0xc6: {  	[dreg:$0x1] =	wrdreg $0xFFFFFFFF  }
0xc7: {  	_ =	task.clear_ibuf [dreg:s7], $0x2FFFF;
	_ =	strace $0x9FFFFFFF  }
0xc8: {  	(tm) =	ssettm $0x7FFFFFFF  }
0xc9: {  	_ =	shalt  }
tec
execute0_lowered:
.L_overlay_start_1:
0x0: {  	(tag) =	ssettag $0x1  }
0x1: {  	s1 =	rddreg [dreg:$0x0]  }
0x2: {  	s0 =	rddreg [dreg:$0x1];
	s2 =	simm.s32 $0x0;
	s3 =	srdreg.scid  }
0x3: {  	s4 =	stileid.u32;
	[smem:$0x7FF] =	sst s2  }
0x4: {  	s3 =	sand.u32 $0x1, s3;
	s4 =	sshll.u32 s4, $0xA;
	s6 =	sadd.s32 $0x20600, s1  }
0x5: {  	_ =	strace $0x80000047;
	s5 =	sshll.u32 s3, $0x9;
	s7 =	ssub.s32 $0x2, s3  }
0x6: {  	s3 =	sadd.s32 $0x600, s1;
	s8 =	sor.u32 s5, s4;
	s26 =	sshrl.u32 s7, $0x1  }
0x7: {  	s5 =	sshrl.u32 s8, $0x3;
	s9 =	sshll.u32 s8, $0x7;
	s10 =	sor.u32 $0x40, s8  }
0x8: {  	s11 =	sor.u32 $0x80, s8;
	s7 =	ssub.s32 s7, s26;
	s14 =	sor.u32 $0xC0, s8  }
0x9: {  	s19 =	sor.u32 $0x100, s8;
	s21 =	sor.u32 $0x140, s8;
	s26 =	sor.u32 $0x180, s8  }
0xa: {  	s8 =	sor.u32 $0x1C0, s8;
	s5 =	sadd.s32 s6, s5;
	s28 =	sadd.s32 s0, s9  }
0xb: {  	s29 =	sshrl.u32 s10, $0x3;
	s31 =	sshll.u32 s10, $0x7;
	s12 =	sshrl.u32 s11, $0x3  }
0xc: {  	s13 =	sshll.u32 s11, $0x7;
	s16 =	sshrl.u32 s14, $0x3;
	[dreg:$0x3] =	wrdreg s5  }
0xd: {  	s18 =	sshll.u32 s14, $0x7;
	[dreg:$0x4] =	wrdreg s28;
	s30 =	sadd.s32 s6, s29  }
0xe: {  	s20 =	sshrl.u32 s19, $0x3;
	s10 =	sadd.s32 s0, s31;
	[dreg:$0x5] =	wrdreg s30  }
0xf: {  	s9 =	sshll.u32 s19, $0x7;
	s4 =	sadd.s32 s6, s12;
	[dreg:$0x6] =	wrdreg s10  }
0x10: {  	s23 =	sshrl.u32 s21, $0x3;
	s15 =	sadd.s32 s0, s13;
	[dreg:$0x7] =	wrdreg s4  }
0x11: {  	s25 =	sshll.u32 s21, $0x7;
	s17 =	sadd.s32 s6, s16;
	[dreg:$0x8] =	wrdreg s15  }
0x12: {  	s14 =	smax.u32 s7, $0x1;
	s5 =	sadd.s32 s0, s18;
	[dreg:$0x9] =	wrdreg s17  }
0x13: {  	s22 =	sadd.s32 s0, s9;
	s24 =	sadd.s32 s6, s23;
	[dreg:$0xa] =	wrdreg s5  }
0x14: {  	s9 =	sadd.s32 s0, s25;
	s28 =	sshrl.u32 s26, $0x3;
	[dreg:$0xc] =	wrdreg s22  }
0x15: {  	s18 =	simm.s32 $0x1;
	s4 =	sadd.s32 $0x700, s1;
	[dreg:$0xd] =	wrdreg s24  }
0x16: {  	s5 =	sadd.s32 s6, s20;
	[dreg:$0xe] =	wrdreg s9;
	s9 =	sadd.s32 s6, s28  }
0x17: {  	s10 =	sshll.u32 s26, $0x7;
	s30 =	sshrl.u32 s8, $0x3;
	[dreg:$0xb] =	wrdreg s5  }
0x18: {  	s8 =	sshll.u32 s8, $0x7;
	[dreg:$0xf] =	wrdreg s9;
	s29 =	sadd.s32 s0, s10  }
0x19: {  	v2 =	vlaneseq.u32;
	s5 =	sadd.s32 $0x800, s1;
	s31 =	sadd.s32 s6, s30;
	[dreg:$0x10] =	wrdreg s29  }
0x1a: {  	vm0 =	vmmov $0xffff;
	v1 =	vshrl.u32 v2, $0x3;
	s6 =	sadd.s32 $0x900, s1;
	s0 =	sadd.s32 s0, s8;
	[dreg:$0x11] =	wrdreg s31  }
0x1b: {  	v0 =	vand.u32 $0x7, v2;
	v2 =	vor.u32 $0x8, v2;
	v1 =	vmul.u32 $0x8, v1;
	s8 =	simm.s32 $0x2;
	s9 =	simm.s32 $0x80;
	[dreg:$0x12] =	wrdreg s0  }
.LBB2_1:
0x1c: {  	s19 =	rddreg [dreg:$0x3]  }
0x1d: {  	[tilespmem:s2], [sflag:$0x2] =	stream.linear.gather [hbm4b:s19+s2], $0x40, $0x38;
	[tilespmem:$0x10080] =	vst v63  }
0x1e: {  	_ =	swait.ge [sflag:s8], $0x40  }
0x1f: {  	[sflag:s8] =	ssyncset.done $0x0  }
0x20: {  	[sflag:s8] =	ssyncadd.s32 $0xFFFFFFC0  }
0x21: {  	v3 =	vld [tilespmem:$0x0];
	_ =	sdelay $0x4  }
0x22: {  	v4 =	vshll.u32 v3, $0x3  }
0x23: {  	v3 =	vand.u32 $0x7, v3;
	v4 =	vand.u32 $0xFFFFFFC0, v4  }
0x24: {  	v3 =	vor.u32 v3, v4  }
0x25: {  	v4 =	vperm.xlane v3, v0;
	_ =	sdelay $0x1  }
0x26: {  	v4 =	vadd.s32 v1, v4;
	_ =	sdelay $0x4  }
0x27: {  	[tilespmem:s9], [sflag:$0x1] =	stream.indirect_vreg.gather [hbm4b:s3+s2], $0x80, v4, vm0, $0xb8;
	[tilespmem:$0x10080] =	vst v63  }
0x28: {  	s0 =	simm.s32 $0x880;
	v3 =	vperm.xlane v3, v2  }
0x29: {  	[tilespmem:s0], [sflag:$0x1] =	stream.indirect_vreg.gather [hbm4b:s4+s2], $0x80, v4, vm0, $0xb8;
	[tilespmem:$0x10080] =	vst v63  }
0x2a: {  	s10 =	simm.s32 $0x1080;
	v3 =	vadd.s32 v1, v3  }
0x2b: {  	[tilespmem:s10], [sflag:$0x1] =	stream.indirect_vreg.gather [hbm4b:s5+s2], $0x80, v4, vm0, $0xb8;
	[tilespmem:$0x10080] =	vst v63  }
0x2c: {  	s11 =	simm.s32 $0x1880  }
0x2d: {  	[tilespmem:s11], [sflag:$0x1] =	stream.indirect_vreg.gather [hbm4b:s6+s2], $0x80, v4, vm0, $0xb8;
	[tilespmem:$0x10080] =	vst v63  }
0x2e: {  	s12 =	simm.s32 $0x2080  }
0x2f: {  	[tilespmem:s12], [sflag:$0x1] =	stream.indirect_vreg.gather [hbm4b:s3+s2], $0x80, v3, vm0, $0xb8;
	[tilespmem:$0x10080] =	vst v63  }
0x30: {  	s13 =	simm.s32 $0x2880  }
0x31: {  	[tilespmem:s13], [sflag:$0x1] =	stream.indirect_vreg.gather [hbm4b:s4+s2], $0x80, v3, vm0, $0xb8;
	[tilespmem:$0x10080] =	vst v63  }
0x32: {  	s15 =	simm.s32 $0x3080  }
0x33: {  	[tilespmem:s15], [sflag:$0x1] =	stream.indirect_vreg.gather [hbm4b:s5+s2], $0x80, v3, vm0, $0xb8;
	[tilespmem:$0x10080] =	vst v63  }
0x34: {  	s19 =	simm.s32 $0x3880  }
0x35: {  	[tilespmem:s19], [sflag:$0x1] =	stream.indirect_vreg.gather [hbm4b:s6+s2], $0x80, v3, vm0, $0xb8;
	[tilespmem:$0x10080] =	vst v63  }
0x36: {  	v3 =	vld [tilespmem:$0x10];
	_ =	sdelay $0x4  }
0x37: {  	v33 =	vshll.u32 v3, $0x3  }
0x38: {  	v3 =	vand.u32 $0x7, v3;
	v4 =	vand.u32 $0xFFFFFFC0, v33  }
0x39: {  	v3 =	vor.u32 v3, v4  }
0x3a: {  	v4 =	vperm.xlane v3, v0;
	_ =	sdelay $0x1  }
0x3b: {  	v4 =	vadd.s32 v1, v4;
	_ =	sdelay $0x3  }
0x3c: {  	s21 =	simm.s32 $0x4080  }
0x3d: {  	[tilespmem:s21], [sflag:$0x1] =	stream.indirect_vreg.gather [hbm4b:s3+s2], $0x80, v4, vm0, $0xb8;
	[tilespmem:$0x10080] =	vst v63  }
0x3e: {  	s22 =	simm.s32 $0x4880;
	v3 =	vperm.xlane v3, v2  }
0x3f: {  	[tilespmem:s22], [sflag:$0x1] =	stream.indirect_vreg.gather [hbm4b:s4+s2], $0x80, v4, vm0, $0xb8;
	[tilespmem:$0x10080] =	vst v63  }
0x40: {  	s23 =	simm.s32 $0x5080;
	v3 =	vadd.s32 v1, v3  }
0x41: {  	[tilespmem:s23], [sflag:$0x1] =	stream.indirect_vreg.gather [hbm4b:s5+s2], $0x80, v4, vm0, $0xb8;
	[tilespmem:$0x10080] =	vst v63  }
0x42: {  	s24 =	simm.s32 $0x5880  }
0x43: {  	[tilespmem:s24], [sflag:$0x1] =	stream.indirect_vreg.gather [hbm4b:s6+s2], $0x80, v4, vm0, $0xb8;
	[tilespmem:$0x10080] =	vst v63  }
0x44: {  	s25 =	simm.s32 $0x6080  }
0x45: {  	[tilespmem:s25], [sflag:$0x1] =	stream.indirect_vreg.gather [hbm4b:s3+s2], $0x80, v3, vm0, $0xb8;
	[tilespmem:$0x10080] =	vst v63  }
0x46: {  	s26 =	simm.s32 $0x6880  }
0x47: {  	[tilespmem:s26], [sflag:$0x1] =	stream.indirect_vreg.gather [hbm4b:s4+s2], $0x80, v3, vm0, $0xb8;
	[tilespmem:$0x10080] =	vst v63  }
0x48: {  	s30 =	simm.s32 $0x7080  }
0x49: {  	[tilespmem:s30], [sflag:$0x1] =	stream.indirect_vreg.gather [hbm4b:s5+s2], $0x80, v3, vm0, $0xb8;
	[tilespmem:$0x10080] =	vst v63  }
0x4a: {  	s10 =	simm.s32 $0x7880  }
0x4b: {  	[tilespmem:s10], [sflag:$0x1] =	stream.indirect_vreg.gather [hbm4b:s6+s2], $0x80, v3, vm0, $0xb8;
	[tilespmem:$0x10080] =	vst v63  }
0x4c: {  	v3 =	vld [tilespmem:$0x20];
	_ =	sdelay $0x4  }
0x4d: {  	v34 =	vshll.u32 v3, $0x3  }
0x4e: {  	v3 =	vand.u32 $0x7, v3;
	v4 =	vand.u32 $0xFFFFFFC0, v34  }
0x4f: {  	v3 =	vor.u32 v3, v4  }
0x50: {  	v4 =	vperm.xlane v3, v0;
	_ =	sdelay $0x1  }
0x51: {  	v4 =	vadd.s32 v1, v4;
	_ =	sdelay $0x3  }
0x52: {  	s11 =	simm.s32 $0x8080  }
0x53: {  	[tilespmem:s11], [sflag:$0x1] =	stream.indirect_vreg.gather [hbm4b:s3+s2], $0x80, v4, vm0, $0xb8;
	[tilespmem:$0x10080] =	vst v63  }
0x54: {  	s12 =	simm.s32 $0x8880;
	v3 =	vperm.xlane v3, v2  }
0x55: {  	[tilespmem:s12], [sflag:$0x1] =	stream.indirect_vreg.gather [hbm4b:s4+s2], $0x80, v4, vm0, $0xb8;
	[tilespmem:$0x10080] =	vst v63  }
0x56: {  	s13 =	simm.s32 $0x9080;
	v3 =	vadd.s32 v1, v3  }
0x57: {  	[tilespmem:s13], [sflag:$0x1] =	stream.indirect_vreg.gather [hbm4b:s5+s2], $0x80, v4, vm0, $0xb8;
	[tilespmem:$0x10080] =	vst v63  }
0x58: {  	s15 =	simm.s32 $0x9880  }
0x59: {  	[tilespmem:s15], [sflag:$0x1] =	stream.indirect_vreg.gather [hbm4b:s6+s2], $0x80, v4, vm0, $0xb8;
	[tilespmem:$0x10080] =	vst v63  }
0x5a: {  	s19 =	simm.s32 $0xA080  }
0x5b: {  	[tilespmem:s19], [sflag:$0x1] =	stream.indirect_vreg.gather [hbm4b:s3+s2], $0x80, v3, vm0, $0xb8;
	[tilespmem:$0x10080] =	vst v63  }
0x5c: {  	s22 =	simm.s32 $0xA880  }
0x5d: {  	[tilespmem:s22], [sflag:$0x1] =	stream.indirect_vreg.gather [hbm4b:s4+s2], $0x80, v3, vm0, $0xb8;
	[tilespmem:$0x10080] =	vst v63  }
0x5e: {  	s23 =	simm.s32 $0xB080  }
0x5f: {  	[tilespmem:s23], [sflag:$0x1] =	stream.indirect_vreg.gather [hbm4b:s5+s2], $0x80, v3, vm0, $0xb8;
	[tilespmem:$0x10080] =	vst v63  }
0x60: {  	s24 =	simm.s32 $0xB880  }
0x61: {  	[tilespmem:s24], [sflag:$0x1] =	stream.indirect_vreg.gather [hbm4b:s6+s2], $0x80, v3, vm0, $0xb8;
	[tilespmem:$0x10080] =	vst v63  }
0x62: {  	v3 =	vld [tilespmem:$0x30];
	_ =	sdelay $0x4  }
0x63: {  	v35 =	vshll.u32 v3, $0x3  }
0x64: {  	v3 =	vand.u32 $0x7, v3;
	v4 =	vand.u32 $0xFFFFFFC0, v35  }
0x65: {  	v3 =	vor.u32 v3, v4  }
0x66: {  	v4 =	vperm.xlane v3, v0;
	_ =	sdelay $0x1  }
0x67: {  	v4 =	vadd.s32 v1, v4;
	_ =	sdelay $0x3  }
0x68: {  	s25 =	simm.s32 $0xC080  }
0x69: {  	[tilespmem:s25], [sflag:$0x1] =	stream.indirect_vreg.gather [hbm4b:s3+s2], $0x80, v4, vm0, $0xb8;
	[tilespmem:$0x10080] =	vst v63  }
0x6a: {  	s26 =	simm.s32 $0xC880;
	v3 =	vperm.xlane v3, v2  }
0x6b: {  	[tilespmem:s26], [sflag:$0x1] =	stream.indirect_vreg.gather [hbm4b:s4+s2], $0x80, v4, vm0, $0xb8;
	[tilespmem:$0x10080] =	vst v63  }
0x6c: {  	s30 =	simm.s32 $0xD080;
	v3 =	vadd.s32 v1, v3  }
0x6d: {  	[tilespmem:s30], [sflag:$0x1] =	stream.indirect_vreg.gather [hbm4b:s5+s2], $0x80, v4, vm0, $0xb8;
	[tilespmem:$0x10080] =	vst v63  }
0x6e: {  	s0 =	simm.s32 $0xD880  }
0x6f: {  	[tilespmem:s0], [sflag:$0x1] =	stream.indirect_vreg.gather [hbm4b:s6+s2], $0x80, v4, vm0, $0xb8;
	[tilespmem:$0x10080] =	vst v63  }
0x70: {  	s13 =	simm.s32 $0xE080  }
0x71: {  	[tilespmem:s13], [sflag:$0x1] =	stream.indirect_vreg.gather [hbm4b:s3+s2], $0x80, v3, vm0, $0xb8;
	[tilespmem:$0x10080] =	vst v63  }
0x72: {  	s24 =	simm.s32 $0xE880  }
0x73: {  	[tilespmem:s24], [sflag:$0x1] =	stream.indirect_vreg.gather [hbm4b:s4+s2], $0x80, v3, vm0, $0xb8;
	[tilespmem:$0x10080] =	vst v63  }
0x74: {  	s25 =	simm.s32 $0xF080  }
0x75: {  	[tilespmem:s25], [sflag:$0x1] =	stream.indirect_vreg.gather [hbm4b:s5+s2], $0x80, v3, vm0, $0xb8;
	[tilespmem:$0x10080] =	vst v63  }
0x76: {  	s26 =	simm.s32 $0xF880  }
0x77: {  	[tilespmem:s26], [sflag:$0x1] =	stream.indirect_vreg.gather [hbm4b:s6+s2], $0x80, v3, vm0, $0xb8;
	[tilespmem:$0x10080] =	vst v63  }
0x78: {  	_ =	swait.ge [sflag:s18], $0x10000  }
0x79: {  	[sflag:s18] =	ssyncset.done $0x0  }
0x7a: {  	s30 =	rddreg [dreg:$0x4];
	[sflag:s18] =	ssyncadd.s32 $0xFFFF0000  }
0x7b: {  	[hbm4b:s30+s2] =	stream.linear.scatter [tilespmem:s9], [sflag:$0x2], $0x10000, $0x38;
	[tilespmem:$0x10080] =	vst v63  }
0x7c: {  	_ =	swait.ge [sflag:s8], $0x10000  }
0x7d: {  	[sflag:s8] =	ssyncset.done $0x0  }
0x7e: {  	s0 =	rddreg [dreg:$0x5];
	[sflag:s8] =	ssyncadd.s32 $0xFFFF0000  }
0x7f: {  	[tilespmem:s2], [sflag:$0x2] =	stream.linear.gather [hbm4b:s0+s2], $0x40, $0x38;
	[tilespmem:$0x10080] =	vst v63  }
0x80: {  	_ =	swait.ge [sflag:s8], $0x40  }
0x81: {  	[sflag:s8] =	ssyncset.done $0x0  }
0x82: {  	[sflag:s8] =	ssyncadd.s32 $0xFFFFFFC0  }
0x83: {  	v3 =	vld [tilespmem:$0x0];
	_ =	sdelay $0x4  }
0x84: {  	v36 =	vshll.u32 v3, $0x3  }
0x85: {  	v3 =	vand.u32 $0x7, v3;
	v4 =	vand.u32 $0xFFFFFFC0, v36  }
0x86: {  	v3 =	vor.u32 v3, v4  }
0x87: {  	v4 =	vperm.xlane v3, v0;
	_ =	sdelay $0x1  }
0x88: {  	v4 =	vadd.s32 v1, v4;
	_ =	sdelay $0x4  }
0x89: {  	[tilespmem:s9], [sflag:$0x1] =	stream.indirect_vreg.gather [hbm4b:s3+s2], $0x80, v4, vm0, $0xb8;
	[tilespmem:$0x10080] =	vst v63  }
0x8a: {  	s28 =	simm.s32 $0x880;
	v3 =	vperm.xlane v3, v2  }
0x8b: {  	[tilespmem:s28], [sflag:$0x1] =	stream.indirect_vreg.gather [hbm4b:s4+s2], $0x80, v4, vm0, $0xb8;
	[tilespmem:$0x10080] =	vst v63  }
0x8c: {  	s1 =	simm.s32 $0x1080;
	v3 =	vadd.s32 v1, v3  }
0x8d: {  	[tilespmem:s1], [sflag:$0x1] =	stream.indirect_vreg.gather [hbm4b:s5+s2], $0x80, v4, vm0, $0xb8;
	[tilespmem:$0x10080] =	vst v63  }
0x8e: {  	s7 =	simm.s32 $0x1880  }
0x8f: {  	[tilespmem:s7], [sflag:$0x1] =	stream.indirect_vreg.gather [hbm4b:s6+s2], $0x80, v4, vm0, $0xb8;
	[tilespmem:$0x10080] =	vst v63  }
0x90: {  	s16 =	simm.s32 $0x2080  }
0x91: {  	[tilespmem:s16], [sflag:$0x1] =	stream.indirect_vreg.gather [hbm4b:s3+s2], $0x80, v3, vm0, $0xb8;
	[tilespmem:$0x10080] =	vst v63  }
0x92: {  	s17 =	simm.s32 $0x2880  }
0x93: {  	[tilespmem:s17], [sflag:$0x1] =	stream.indirect_vreg.gather [hbm4b:s4+s2], $0x80, v3, vm0, $0xb8;
	[tilespmem:$0x10080] =	vst v63  }
0x94: {  	s20 =	simm.s32 $0x3080  }
0x95: {  	[tilespmem:s20], [sflag:$0x1] =	stream.indirect_vreg.gather [hbm4b:s5+s2], $0x80, v3, vm0, $0xb8;
	[tilespmem:$0x10080] =	vst v63  }
0x96: {  	s29 =	simm.s32 $0x3880  }
0x97: {  	[tilespmem:s29], [sflag:$0x1] =	stream.indirect_vreg.gather [hbm4b:s6+s2], $0x80, v3, vm0, $0xb8;
	[tilespmem:$0x10080] =	vst v63  }
0x98: {  	v3 =	vld [tilespmem:$0x10];
	_ =	sdelay $0x4  }
0x99: {  	v37 =	vshll.u32 v3, $0x3  }
0x9a: {  	v3 =	vand.u32 $0x7, v3;
	v4 =	vand.u32 $0xFFFFFFC0, v37  }
0x9b: {  	v3 =	vor.u32 v3, v4  }
0x9c: {  	v4 =	vperm.xlane v3, v0;
	_ =	sdelay $0x1  }
0x9d: {  	v4 =	vadd.s32 v1, v4;
	_ =	sdelay $0x3  }
0x9e: {  	s30 =	simm.s32 $0x4080  }
0x9f: {  	[tilespmem:s30], [sflag:$0x1] =	stream.indirect_vreg.gather [hbm4b:s3+s2], $0x80, v4, vm0, $0xb8;
	[tilespmem:$0x10080] =	vst v63  }
0xa0: {  	s31 =	simm.s32 $0x4880;
	v3 =	vperm.xlane v3, v2  }
0xa1: {  	[tilespmem:s31], [sflag:$0x1] =	stream.indirect_vreg.gather [hbm4b:s4+s2], $0x80, v4, vm0, $0xb8;
	[tilespmem:$0x10080] =	vst v63  }
0xa2: {  	s21 =	simm.s32 $0x5080;
	v3 =	vadd.s32 v1, v3  }
0xa3: {  	[tilespmem:s21], [sflag:$0x1] =	stream.indirect_vreg.gather [hbm4b:s5+s2], $0x80, v4, vm0, $0xb8;
	[tilespmem:$0x10080] =	vst v63  }
0xa4: {  	s31 =	simm.s32 $0x5880  }
0xa5: {  	[tilespmem:s31], [sflag:$0x1] =	stream.indirect_vreg.gather [hbm4b:s6+s2], $0x80, v4, vm0, $0xb8;
	[tilespmem:$0x10080] =	vst v63  }
0xa6: {  	s0 =	simm.s32 $0x6080  }
0xa7: {  	[tilespmem:s0], [sflag:$0x1] =	stream.indirect_vreg.gather [hbm4b:s3+s2], $0x80, v3, vm0, $0xb8;
	[tilespmem:$0x10080] =	vst v63  }
0xa8: {  	s1 =	simm.s32 $0x6880  }
0xa9: {  	[tilespmem:s1], [sflag:$0x1] =	stream.indirect_vreg.gather [hbm4b:s4+s2], $0x80, v3, vm0, $0xb8;
	[tilespmem:$0x10080] =	vst v63  }
0xaa: {  	s7 =	simm.s32 $0x7080  }
0xab: {  	[tilespmem:s7], [sflag:$0x1] =	stream.indirect_vreg.gather [hbm4b:s5+s2], $0x80, v3, vm0, $0xb8;
	[tilespmem:$0x10080] =	vst v63  }
0xac: {  	s21 =	simm.s32 $0x7880  }
0xad: {  	[tilespmem:s21], [sflag:$0x1] =	stream.indirect_vreg.gather [hbm4b:s6+s2], $0x80, v3, vm0, $0xb8;
	[tilespmem:$0x10080] =	vst v63  }
0xae: {  	v3 =	vld [tilespmem:$0x20];
	_ =	sdelay $0x4  }
0xaf: {  	v38 =	vshll.u32 v3, $0x3  }
0xb0: {  	v3 =	vand.u32 $0x7, v3;
	v4 =	vand.u32 $0xFFFFFFC0, v38  }
0xb1: {  	v3 =	vor.u32 v3, v4  }
0xb2: {  	v4 =	vperm.xlane v3, v0;
	_ =	sdelay $0x1  }
0xb3: {  	v4 =	vadd.s32 v1, v4;
	_ =	sdelay $0x3  }
0xb4: {  	s28 =	simm.s32 $0x8080  }
0xb5: {  	[tilespmem:s28], [sflag:$0x1] =	stream.indirect_vreg.gather [hbm4b:s3+s2], $0x80, v4, vm0, $0xb8;
	[tilespmem:$0x10080] =	vst v63  }
0xb6: {  	s29 =	simm.s32 $0x8880;
	v3 =	vperm.xlane v3, v2  }
0xb7: {  	[tilespmem:s29], [sflag:$0x1] =	stream.indirect_vreg.gather [hbm4b:s4+s2], $0x80, v4, vm0, $0xb8;
	[tilespmem:$0x10080] =	vst v63  }
0xb8: {  	s16 =	simm.s32 $0x9080;
	v3 =	vadd.s32 v1, v3  }
0xb9: {  	[tilespmem:s16], [sflag:$0x1] =	stream.indirect_vreg.gather [hbm4b:s5+s2], $0x80, v4, vm0, $0xb8;
	[tilespmem:$0x10080] =	vst v63  }
0xba: {  	s17 =	simm.s32 $0x9880  }
0xbb: {  	[tilespmem:s17], [sflag:$0x1] =	stream.indirect_vreg.gather [hbm4b:s6+s2], $0x80, v4, vm0, $0xb8;
	[tilespmem:$0x10080] =	vst v63  }
0xbc: {  	s20 =	simm.s32 $0xA080  }
0xbd: {  	[tilespmem:s20], [sflag:$0x1] =	stream.indirect_vreg.gather [hbm4b:s3+s2], $0x80, v3, vm0, $0xb8;
	[tilespmem:$0x10080] =	vst v63  }
0xbe: {  	s22 =	simm.s32 $0xA880  }
0xbf: {  	[tilespmem:s22], [sflag:$0x1] =	stream.indirect_vreg.gather [hbm4b:s4+s2], $0x80, v3, vm0, $0xb8;
	[tilespmem:$0x10080] =	vst v63  }
0xc0: {  	s15 =	simm.s32 $0xB080  }
0xc1: {  	[tilespmem:s15], [sflag:$0x1] =	stream.indirect_vreg.gather [hbm4b:s5+s2], $0x80, v3, vm0, $0xb8;
	[tilespmem:$0x10080] =	vst v63  }
0xc2: {  	s10 =	simm.s32 $0xB880  }
0xc3: {  	[tilespmem:s10], [sflag:$0x1] =	stream.indirect_vreg.gather [hbm4b:s6+s2], $0x80, v3, vm0, $0xb8;
	[tilespmem:$0x10080] =	vst v63  }
0xc4: {  	v3 =	vld [tilespmem:$0x30];
	_ =	sdelay $0x4  }
0xc5: {  	v39 =	vshll.u32 v3, $0x3  }
0xc6: {  	v3 =	vand.u32 $0x7, v3;
	v4 =	vand.u32 $0xFFFFFFC0, v39  }
0xc7: {  	v3 =	vor.u32 v3, v4  }
0xc8: {  	v4 =	vperm.xlane v3, v0;
	_ =	sdelay $0x1  }
0xc9: {  	v4 =	vadd.s32 v1, v4;
	_ =	sdelay $0x3  }
0xca: {  	s11 =	simm.s32 $0xC080  }
0xcb: {  	[tilespmem:s11], [sflag:$0x1] =	stream.indirect_vreg.gather [hbm4b:s3+s2], $0x80, v4, vm0, $0xb8;
	[tilespmem:$0x10080] =	vst v63  }
0xcc: {  	s12 =	simm.s32 $0xC880;
	v3 =	vperm.xlane v3, v2  }
0xcd: {  	[tilespmem:s12], [sflag:$0x1] =	stream.indirect_vreg.gather [hbm4b:s4+s2], $0x80, v4, vm0, $0xb8;
	[tilespmem:$0x10080] =	vst v63  }
0xce: {  	v3 =	vadd.s32 v1, v3;
	s12 =	simm.s32 $0xD080  }
0xcf: {  	[tilespmem:s12], [sflag:$0x1] =	stream.indirect_vreg.gather [hbm4b:s5+s2], $0x80, v4, vm0, $0xb8;
	[tilespmem:$0x10080] =	vst v63  }
0xd0: {  	s23 =	simm.s32 $0xD880  }
0xd1: {  	[tilespmem:s23], [sflag:$0x1] =	stream.indirect_vreg.gather [hbm4b:s6+s2], $0x80, v4, vm0, $0xb8;
	[tilespmem:$0x10080] =	vst v63  }
0xd2: {  	s19 =	simm.s32 $0xE080  }
0xd3: {  	[tilespmem:s19], [sflag:$0x1] =	stream.indirect_vreg.gather [hbm4b:s3+s2], $0x80, v3, vm0, $0xb8;
	[tilespmem:$0x10080] =	vst v63  }
0xd4: {  	s22 =	simm.s32 $0xE880  }
0xd5: {  	[tilespmem:s22], [sflag:$0x1] =	stream.indirect_vreg.gather [hbm4b:s4+s2], $0x80, v3, vm0, $0xb8;
	[tilespmem:$0x10080] =	vst v63  }
0xd6: {  	s23 =	simm.s32 $0xF080  }
0xd7: {  	[tilespmem:s23], [sflag:$0x1] =	stream.indirect_vreg.gather [hbm4b:s5+s2], $0x80, v3, vm0, $0xb8;
	[tilespmem:$0x10080] =	vst v63  }
0xd8: {  	s13 =	simm.s32 $0xF880  }
0xd9: {  	[tilespmem:s13], [sflag:$0x1] =	stream.indirect_vreg.gather [hbm4b:s6+s2], $0x80, v3, vm0, $0xb8;
	[tilespmem:$0x10080] =	vst v63  }
0xda: {  	_ =	swait.ge [sflag:s18], $0x10000  }
0xdb: {  	[sflag:s18] =	ssyncset.done $0x0  }
0xdc: {  	s19 =	rddreg [dreg:$0x6];
	[sflag:s18] =	ssyncadd.s32 $0xFFFF0000  }
0xdd: {  	[hbm4b:s19+s2] =	stream.linear.scatter [tilespmem:s9], [sflag:$0x2], $0x10000, $0x38;
	[tilespmem:$0x10080] =	vst v63  }
0xde: {  	_ =	swait.ge [sflag:s8], $0x10000  }
0xdf: {  	[sflag:s8] =	ssyncset.done $0x0  }
0xe0: {  	s19 =	rddreg [dreg:$0x7];
	[sflag:s8] =	ssyncadd.s32 $0xFFFF0000  }
0xe1: {  	[tilespmem:s2], [sflag:$0x2] =	stream.linear.gather [hbm4b:s19+s2], $0x40, $0x38;
	[tilespmem:$0x10080] =	vst v63  }
0xe2: {  	_ =	swait.ge [sflag:s8], $0x40  }
0xe3: {  	[sflag:s8] =	ssyncset.done $0x0  }
0xe4: {  	[sflag:s8] =	ssyncadd.s32 $0xFFFFFFC0  }
0xe5: {  	v3 =	vld [tilespmem:$0x0];
	_ =	sdelay $0x4  }
0xe6: {  	v40 =	vshll.u32 v3, $0x3  }
0xe7: {  	v3 =	vand.u32 $0x7, v3;
	v4 =	vand.u32 $0xFFFFFFC0, v40  }
0xe8: {  	v3 =	vor.u32 v3, v4  }
0xe9: {  	v4 =	vperm.xlane v3, v0;
	_ =	sdelay $0x1  }
0xea: {  	v4 =	vadd.s32 v1, v4;
	_ =	sdelay $0x4  }
0xeb: {  	[tilespmem:s9], [sflag:$0x1] =	stream.indirect_vreg.gather [hbm4b:s3+s2], $0x80, v4, vm0, $0xb8;
	[tilespmem:$0x10080] =	vst v63  }
0xec: {  	s19 =	simm.s32 $0x880;
	v3 =	vperm.xlane v3, v2  }
0xed: {  	[tilespmem:s19], [sflag:$0x1] =	stream.indirect_vreg.gather [hbm4b:s4+s2], $0x80, v4, vm0, $0xb8;
	[tilespmem:$0x10080] =	vst v63  }
0xee: {  	s25 =	simm.s32 $0x1080;
	v3 =	vadd.s32 v1, v3  }
0xef: {  	[tilespmem:s25], [sflag:$0x1] =	stream.indirect_vreg.gather [hbm4b:s5+s2], $0x80, v4, vm0, $0xb8;
	[tilespmem:$0x10080] =	vst v63  }
0xf0: {  	s26 =	simm.s32 $0x1880  }
0xf1: {  	[tilespmem:s26], [sflag:$0x1] =	stream.indirect_vreg.gather [hbm4b:s6+s2], $0x80, v4, vm0, $0xb8;
	[tilespmem:$0x10080] =	vst v63  }
0xf2: {  	s26 =	simm.s32 $0x2080  }
0xf3: {  	[tilespmem:s26], [sflag:$0x1] =	stream.indirect_vreg.gather [hbm4b:s3+s2], $0x80, v3, vm0, $0xb8;
	[tilespmem:$0x10080] =	vst v63  }
0xf4: {  	s26 =	simm.s32 $0x2880  }
0xf5: {  	[tilespmem:s26], [sflag:$0x1] =	stream.indirect_vreg.gather [hbm4b:s4+s2], $0x80, v3, vm0, $0xb8;
	[tilespmem:$0x10080] =	vst v63  }
0xf6: {  	s26 =	simm.s32 $0x3080  }
0xf7: {  	[tilespmem:s26], [sflag:$0x1] =	stream.indirect_vreg.gather [hbm4b:s5+s2], $0x80, v3, vm0, $0xb8;
	[tilespmem:$0x10080] =	vst v63  }
0xf8: {  	s26 =	simm.s32 $0x3880  }
0xf9: {  	[tilespmem:s26], [sflag:$0x1] =	stream.indirect_vreg.gather [hbm4b:s6+s2], $0x80, v3, vm0, $0xb8;
	[tilespmem:$0x10080] =	vst v63  }
0xfa: {  	v3 =	vld [tilespmem:$0x10];
	_ =	sdelay $0x4  }
0xfb: {  	v41 =	vshll.u32 v3, $0x3  }
0xfc: {  	v3 =	vand.u32 $0x7, v3;
	v4 =	vand.u32 $0xFFFFFFC0, v41  }
0xfd: {  	v3 =	vor.u32 v3, v4  }
0xfe: {  	v4 =	vperm.xlane v3, v0;
	_ =	sdelay $0x1  }
0xff: {  	v4 =	vadd.s32 v1, v4;
	_ =	sdelay $0x4  }
0x100: {  	[tilespmem:s30], [sflag:$0x1] =	stream.indirect_vreg.gather [hbm4b:s3+s2], $0x80, v4, vm0, $0xb8;
	[tilespmem:$0x10080] =	vst v63  }
0x101: {  	s26 =	simm.s32 $0x4880;
	v3 =	vperm.xlane v3, v2  }
0x102: {  	[tilespmem:s26], [sflag:$0x1] =	stream.indirect_vreg.gather [hbm4b:s4+s2], $0x80, v4, vm0, $0xb8;
	[tilespmem:$0x10080] =	vst v63  }
0x103: {  	v3 =	vadd.s32 v1, v3;
	s26 =	simm.s32 $0x5080  }
0x104: {  	[tilespmem:s26], [sflag:$0x1] =	stream.indirect_vreg.gather [hbm4b:s5+s2], $0x80, v4, vm0, $0xb8;
	[tilespmem:$0x10080] =	vst v63  }
0x105: {  	_ = 	snop  }
0x106: {  	[tilespmem:s31], [sflag:$0x1] =	stream.indirect_vreg.gather [hbm4b:s6+s2], $0x80, v4, vm0, $0xb8;
	[tilespmem:$0x10080] =	vst v63  }
0x107: {  	_ = 	snop  }
0x108: {  	[tilespmem:s0], [sflag:$0x1] =	stream.indirect_vreg.gather [hbm4b:s3+s2], $0x80, v3, vm0, $0xb8;
	[tilespmem:$0x10080] =	vst v63  }
0x109: {  	_ = 	snop  }
0x10a: {  	[tilespmem:s1], [sflag:$0x1] =	stream.indirect_vreg.gather [hbm4b:s4+s2], $0x80, v3, vm0, $0xb8;
	[tilespmem:$0x10080] =	vst v63  }
0x10b: {  	_ = 	snop  }
0x10c: {  	[tilespmem:s7], [sflag:$0x1] =	stream.indirect_vreg.gather [hbm4b:s5+s2], $0x80, v3, vm0, $0xb8;
	[tilespmem:$0x10080] =	vst v63  }
0x10d: {  	_ = 	snop  }
0x10e: {  	[tilespmem:s21], [sflag:$0x1] =	stream.indirect_vreg.gather [hbm4b:s6+s2], $0x80, v3, vm0, $0xb8;
	[tilespmem:$0x10080] =	vst v63  }
0x10f: {  	v3 =	vld [tilespmem:$0x20];
	_ =	sdelay $0x4  }
0x110: {  	v42 =	vshll.u32 v3, $0x3  }
0x111: {  	v3 =	vand.u32 $0x7, v3;
	v4 =	vand.u32 $0xFFFFFFC0, v42  }
0x112: {  	v3 =	vor.u32 v3, v4  }
0x113: {  	v4 =	vperm.xlane v3, v0;
	_ =	sdelay $0x1  }
0x114: {  	v4 =	vadd.s32 v1, v4;
	_ =	sdelay $0x4  }
0x115: {  	[tilespmem:s28], [sflag:$0x1] =	stream.indirect_vreg.gather [hbm4b:s3+s2], $0x80, v4, vm0, $0xb8;
	[tilespmem:$0x10080] =	vst v63  }
0x116: {  	v3 =	vperm.xlane v3, v2  }
0x117: {  	[tilespmem:s29], [sflag:$0x1] =	stream.indirect_vreg.gather [hbm4b:s4+s2], $0x80, v4, vm0, $0xb8;
	[tilespmem:$0x10080] =	vst v63  }
0x118: {  	v3 =	vadd.s32 v1, v3  }
0x119: {  	[tilespmem:s16], [sflag:$0x1] =	stream.indirect_vreg.gather [hbm4b:s5+s2], $0x80, v4, vm0, $0xb8;
	[tilespmem:$0x10080] =	vst v63  }
0x11a: {  	_ = 	snop  }
0x11b: {  	[tilespmem:s17], [sflag:$0x1] =	stream.indirect_vreg.gather [hbm4b:s6+s2], $0x80, v4, vm0, $0xb8;
	[tilespmem:$0x10080] =	vst v63  }
0x11c: {  	_ = 	snop  }
0x11d: {  	[tilespmem:s20], [sflag:$0x1] =	stream.indirect_vreg.gather [hbm4b:s3+s2], $0x80, v3, vm0, $0xb8;
	[tilespmem:$0x10080] =	vst v63  }
0x11e: {  	s24 =	simm.s32 $0xA880  }
0x11f: {  	[tilespmem:s24], [sflag:$0x1] =	stream.indirect_vreg.gather [hbm4b:s4+s2], $0x80, v3, vm0, $0xb8;
	[tilespmem:$0x10080] =	vst v63  }
0x120: {  	s15 =	simm.s32 $0xB080  }
0x121: {  	[tilespmem:s15], [sflag:$0x1] =	stream.indirect_vreg.gather [hbm4b:s5+s2], $0x80, v3, vm0, $0xb8;
	[tilespmem:$0x10080] =	vst v63  }
0x122: {  	s29 =	simm.s32 $0xB880  }
0x123: {  	[tilespmem:s29], [sflag:$0x1] =	stream.indirect_vreg.gather [hbm4b:s6+s2], $0x80, v3, vm0, $0xb8;
	[tilespmem:$0x10080] =	vst v63  }
0x124: {  	v3 =	vld [tilespmem:$0x30];
	_ =	sdelay $0x4  }
0x125: {  	v43 =	vshll.u32 v3, $0x3  }
0x126: {  	v3 =	vand.u32 $0x7, v3;
	v4 =	vand.u32 $0xFFFFFFC0, v43  }
0x127: {  	v3 =	vor.u32 v3, v4  }
0x128: {  	v4 =	vperm.xlane v3, v0;
	_ =	sdelay $0x1  }
0x129: {  	v4 =	vadd.s32 v1, v4;
	_ =	sdelay $0x3  }
0x12a: {  	s20 =	simm.s32 $0xC080  }
0x12b: {  	[tilespmem:s20], [sflag:$0x1] =	stream.indirect_vreg.gather [hbm4b:s3+s2], $0x80, v4, vm0, $0xb8;
	[tilespmem:$0x10080] =	vst v63  }
0x12c: {  	v3 =	vperm.xlane v3, v2;
	s20 =	simm.s32 $0xC880  }
0x12d: {  	[tilespmem:s20], [sflag:$0x1] =	stream.indirect_vreg.gather [hbm4b:s4+s2], $0x80, v4, vm0, $0xb8;
	[tilespmem:$0x10080] =	vst v63  }
0x12e: {  	s10 =	simm.s32 $0xD080;
	v3 =	vadd.s32 v1, v3  }
0x12f: {  	[tilespmem:s10], [sflag:$0x1] =	stream.indirect_vreg.gather [hbm4b:s5+s2], $0x80, v4, vm0, $0xb8;
	[tilespmem:$0x10080] =	vst v63  }
0x130: {  	s11 =	simm.s32 $0xD880  }
0x131: {  	[tilespmem:s11], [sflag:$0x1] =	stream.indirect_vreg.gather [hbm4b:s6+s2], $0x80, v4, vm0, $0xb8;
	[tilespmem:$0x10080] =	vst v63  }
0x132: {  	s12 =	simm.s32 $0xE080  }
0x133: {  	[tilespmem:s12], [sflag:$0x1] =	stream.indirect_vreg.gather [hbm4b:s3+s2], $0x80, v3, vm0, $0xb8;
	[tilespmem:$0x10080] =	vst v63  }
0x134: {  	s22 =	simm.s32 $0xE880  }
0x135: {  	[tilespmem:s22], [sflag:$0x1] =	stream.indirect_vreg.gather [hbm4b:s4+s2], $0x80, v3, vm0, $0xb8;
	[tilespmem:$0x10080] =	vst v63  }
0x136: {  	s23 =	simm.s32 $0xF080  }
0x137: {  	[tilespmem:s23], [sflag:$0x1] =	stream.indirect_vreg.gather [hbm4b:s5+s2], $0x80, v3, vm0, $0xb8;
	[tilespmem:$0x10080] =	vst v63  }
0x138: {  	s13 =	simm.s32 $0xF880  }
0x139: {  	[tilespmem:s13], [sflag:$0x1] =	stream.indirect_vreg.gather [hbm4b:s6+s2], $0x80, v3, vm0, $0xb8;
	[tilespmem:$0x10080] =	vst v63  }
0x13a: {  	_ =	swait.ge [sflag:s18], $0x10000  }
0x13b: {  	[sflag:s18] =	ssyncset.done $0x0  }
0x13c: {  	s23 =	rddreg [dreg:$0x8];
	[sflag:s18] =	ssyncadd.s32 $0xFFFF0000  }
0x13d: {  	[hbm4b:s23+s2] =	stream.linear.scatter [tilespmem:s9], [sflag:$0x2], $0x10000, $0x38;
	[tilespmem:$0x10080] =	vst v63  }
0x13e: {  	_ =	swait.ge [sflag:s8], $0x10000  }
0x13f: {  	[sflag:s8] =	ssyncset.done $0x0  }
0x140: {  	s23 =	rddreg [dreg:$0x9];
	[sflag:s8] =	ssyncadd.s32 $0xFFFF0000  }
0x141: {  	[tilespmem:s2], [sflag:$0x2] =	stream.linear.gather [hbm4b:s23+s2], $0x40, $0x38;
	[tilespmem:$0x10080] =	vst v63  }
0x142: {  	_ =	swait.ge [sflag:s8], $0x40  }
0x143: {  	[sflag:s8] =	ssyncset.done $0x0  }
0x144: {  	[sflag:s8] =	ssyncadd.s32 $0xFFFFFFC0  }
0x145: {  	v3 =	vld [tilespmem:$0x0];
	_ =	sdelay $0x4  }
0x146: {  	v44 =	vshll.u32 v3, $0x3  }
0x147: {  	v3 =	vand.u32 $0x7, v3;
	v4 =	vand.u32 $0xFFFFFFC0, v44  }
0x148: {  	v3 =	vor.u32 v3, v4  }
0x149: {  	v4 =	vperm.xlane v3, v0;
	_ =	sdelay $0x1  }
0x14a: {  	v4 =	vadd.s32 v1, v4;
	_ =	sdelay $0x4  }
0x14b: {  	[tilespmem:s9], [sflag:$0x1] =	stream.indirect_vreg.gather [hbm4b:s3+s2], $0x80, v4, vm0, $0xb8;
	[tilespmem:$0x10080] =	vst v63  }
0x14c: {  	s23 =	simm.s32 $0x880;
	v3 =	vperm.xlane v3, v2  }
0x14d: {  	[tilespmem:s23], [sflag:$0x1] =	stream.indirect_vreg.gather [hbm4b:s4+s2], $0x80, v4, vm0, $0xb8;
	[tilespmem:$0x10080] =	vst v63  }
0x14e: {  	s25 =	simm.s32 $0x1080;
	v3 =	vadd.s32 v1, v3  }
0x14f: {  	[tilespmem:s25], [sflag:$0x1] =	stream.indirect_vreg.gather [hbm4b:s5+s2], $0x80, v4, vm0, $0xb8;
	[tilespmem:$0x10080] =	vst v63  }
0x150: {  	s25 =	simm.s32 $0x1880  }
0x151: {  	[tilespmem:s25], [sflag:$0x1] =	stream.indirect_vreg.gather [hbm4b:s6+s2], $0x80, v4, vm0, $0xb8;
	[tilespmem:$0x10080] =	vst v63  }
0x152: {  	s25 =	simm.s32 $0x2080  }
0x153: {  	[tilespmem:s25], [sflag:$0x1] =	stream.indirect_vreg.gather [hbm4b:s3+s2], $0x80, v3, vm0, $0xb8;
	[tilespmem:$0x10080] =	vst v63  }
0x154: {  	s25 =	simm.s32 $0x2880  }
0x155: {  	[tilespmem:s25], [sflag:$0x1] =	stream.indirect_vreg.gather [hbm4b:s4+s2], $0x80, v3, vm0, $0xb8;
	[tilespmem:$0x10080] =	vst v63  }
0x156: {  	s25 =	simm.s32 $0x3080  }
0x157: {  	[tilespmem:s25], [sflag:$0x1] =	stream.indirect_vreg.gather [hbm4b:s5+s2], $0x80, v3, vm0, $0xb8;
	[tilespmem:$0x10080] =	vst v63  }
0x158: {  	s25 =	simm.s32 $0x3880  }
0x159: {  	[tilespmem:s25], [sflag:$0x1] =	stream.indirect_vreg.gather [hbm4b:s6+s2], $0x80, v3, vm0, $0xb8;
	[tilespmem:$0x10080] =	vst v63  }
0x15a: {  	v3 =	vld [tilespmem:$0x10];
	_ =	sdelay $0x4  }
0x15b: {  	v45 =	vshll.u32 v3, $0x3  }
0x15c: {  	v3 =	vand.u32 $0x7, v3;
	v4 =	vand.u32 $0xFFFFFFC0, v45  }
0x15d: {  	v3 =	vor.u32 v3, v4  }
0x15e: {  	v4 =	vperm.xlane v3, v0;
	_ =	sdelay $0x1  }
0x15f: {  	v4 =	vadd.s32 v1, v4;
	_ =	sdelay $0x3  }
0x160: {  	s30 =	simm.s32 $0x4080  }
0x161: {  	[tilespmem:s30], [sflag:$0x1] =	stream.indirect_vreg.gather [hbm4b:s3+s2], $0x80, v4, vm0, $0xb8;
	[tilespmem:$0x10080] =	vst v63  }
0x162: {  	v3 =	vperm.xlane v3, v2;
	s30 =	simm.s32 $0x4880  }
0x163: {  	[tilespmem:s30], [sflag:$0x1] =	stream.indirect_vreg.gather [hbm4b:s4+s2], $0x80, v4, vm0, $0xb8;
	[tilespmem:$0x10080] =	vst v63  }
0x164: {  	v3 =	vadd.s32 v1, v3;
	s30 =	simm.s32 $0x5080  }
0x165: {  	[tilespmem:s30], [sflag:$0x1] =	stream.indirect_vreg.gather [hbm4b:s5+s2], $0x80, v4, vm0, $0xb8;
	[tilespmem:$0x10080] =	vst v63  }
0x166: {  	s31 =	simm.s32 $0x5880  }
0x167: {  	[tilespmem:s31], [sflag:$0x1] =	stream.indirect_vreg.gather [hbm4b:s6+s2], $0x80, v4, vm0, $0xb8;
	[tilespmem:$0x10080] =	vst v63  }
0x168: {  	s0 =	simm.s32 $0x6080  }
0x169: {  	[tilespmem:s0], [sflag:$0x1] =	stream.indirect_vreg.gather [hbm4b:s3+s2], $0x80, v3, vm0, $0xb8;
	[tilespmem:$0x10080] =	vst v63  }
0x16a: {  	s1 =	simm.s32 $0x6880  }
0x16b: {  	[tilespmem:s1], [sflag:$0x1] =	stream.indirect_vreg.gather [hbm4b:s4+s2], $0x80, v3, vm0, $0xb8;
	[tilespmem:$0x10080] =	vst v63  }
0x16c: {  	s7 =	simm.s32 $0x7080  }
0x16d: {  	[tilespmem:s7], [sflag:$0x1] =	stream.indirect_vreg.gather [hbm4b:s5+s2], $0x80, v3, vm0, $0xb8;
	[tilespmem:$0x10080] =	vst v63  }
0x16e: {  	s30 =	simm.s32 $0x7880  }
0x16f: {  	[tilespmem:s30], [sflag:$0x1] =	stream.indirect_vreg.gather [hbm4b:s6+s2], $0x80, v3, vm0, $0xb8;
	[tilespmem:$0x10080] =	vst v63  }
0x170: {  	v3 =	vld [tilespmem:$0x20];
	_ =	sdelay $0x4  }
0x171: {  	v46 =	vshll.u32 v3, $0x3  }
0x172: {  	v3 =	vand.u32 $0x7, v3;
	v4 =	vand.u32 $0xFFFFFFC0, v46  }
0x173: {  	v3 =	vor.u32 v3, v4  }
0x174: {  	v4 =	vperm.xlane v3, v0;
	_ =	sdelay $0x1  }
0x175: {  	v4 =	vadd.s32 v1, v4;
	_ =	sdelay $0x3  }
0x176: {  	s21 =	simm.s32 $0x8080  }
0x177: {  	[tilespmem:s21], [sflag:$0x1] =	stream.indirect_vreg.gather [hbm4b:s3+s2], $0x80, v4, vm0, $0xb8;
	[tilespmem:$0x10080] =	vst v63  }
0x178: {  	s26 =	simm.s32 $0x8880;
	v3 =	vperm.xlane v3, v2  }
0x179: {  	[tilespmem:s26], [sflag:$0x1] =	stream.indirect_vreg.gather [hbm4b:s4+s2], $0x80, v4, vm0, $0xb8;
	[tilespmem:$0x10080] =	vst v63  }
0x17a: {  	s16 =	simm.s32 $0x9080;
	v3 =	vadd.s32 v1, v3  }
0x17b: {  	[tilespmem:s16], [sflag:$0x1] =	stream.indirect_vreg.gather [hbm4b:s5+s2], $0x80, v4, vm0, $0xb8;
	[tilespmem:$0x10080] =	vst v63  }
0x17c: {  	s28 =	simm.s32 $0x9880  }
0x17d: {  	[tilespmem:s28], [sflag:$0x1] =	stream.indirect_vreg.gather [hbm4b:s6+s2], $0x80, v4, vm0, $0xb8;
	[tilespmem:$0x10080] =	vst v63  }
0x17e: {  	s17 =	simm.s32 $0xA080  }
0x17f: {  	[tilespmem:s17], [sflag:$0x1] =	stream.indirect_vreg.gather [hbm4b:s3+s2], $0x80, v3, vm0, $0xb8;
	[tilespmem:$0x10080] =	vst v63  }
0x180: {  	s24 =	simm.s32 $0xA880  }
0x181: {  	[tilespmem:s24], [sflag:$0x1] =	stream.indirect_vreg.gather [hbm4b:s4+s2], $0x80, v3, vm0, $0xb8;
	[tilespmem:$0x10080] =	vst v63  }
0x182: {  	s15 =	simm.s32 $0xB080  }
0x183: {  	[tilespmem:s15], [sflag:$0x1] =	stream.indirect_vreg.gather [hbm4b:s5+s2], $0x80, v3, vm0, $0xb8;
	[tilespmem:$0x10080] =	vst v63  }
0x184: {  	s29 =	simm.s32 $0xB880  }
0x185: {  	[tilespmem:s29], [sflag:$0x1] =	stream.indirect_vreg.gather [hbm4b:s6+s2], $0x80, v3, vm0, $0xb8;
	[tilespmem:$0x10080] =	vst v63  }
0x186: {  	v3 =	vld [tilespmem:$0x30];
	_ =	sdelay $0x4  }
0x187: {  	v47 =	vshll.u32 v3, $0x3  }
0x188: {  	v3 =	vand.u32 $0x7, v3;
	v4 =	vand.u32 $0xFFFFFFC0, v47  }
0x189: {  	v3 =	vor.u32 v3, v4  }
0x18a: {  	v4 =	vperm.xlane v3, v0;
	_ =	sdelay $0x1  }
0x18b: {  	v4 =	vadd.s32 v1, v4;
	_ =	sdelay $0x3  }
0x18c: {  	s29 =	simm.s32 $0xC080  }
0x18d: {  	[tilespmem:s29], [sflag:$0x1] =	stream.indirect_vreg.gather [hbm4b:s3+s2], $0x80, v4, vm0, $0xb8;
	[tilespmem:$0x10080] =	vst v63  }
0x18e: {  	s19 =	simm.s32 $0xC880;
	v3 =	vperm.xlane v3, v2  }
0x18f: {  	[tilespmem:s19], [sflag:$0x1] =	stream.indirect_vreg.gather [hbm4b:s4+s2], $0x80, v4, vm0, $0xb8;
	[tilespmem:$0x10080] =	vst v63  }
0x190: {  	s10 =	simm.s32 $0xD080;
	v3 =	vadd.s32 v1, v3  }
0x191: {  	[tilespmem:s10], [sflag:$0x1] =	stream.indirect_vreg.gather [hbm4b:s5+s2], $0x80, v4, vm0, $0xb8;
	[tilespmem:$0x10080] =	vst v63  }
0x192: {  	s11 =	simm.s32 $0xD880  }
0x193: {  	[tilespmem:s11], [sflag:$0x1] =	stream.indirect_vreg.gather [hbm4b:s6+s2], $0x80, v4, vm0, $0xb8;
	[tilespmem:$0x10080] =	vst v63  }
0x194: {  	s12 =	simm.s32 $0xE080  }
0x195: {  	[tilespmem:s12], [sflag:$0x1] =	stream.indirect_vreg.gather [hbm4b:s3+s2], $0x80, v3, vm0, $0xb8;
	[tilespmem:$0x10080] =	vst v63  }
0x196: {  	s20 =	simm.s32 $0xE880  }
0x197: {  	[tilespmem:s20], [sflag:$0x1] =	stream.indirect_vreg.gather [hbm4b:s4+s2], $0x80, v3, vm0, $0xb8;
	[tilespmem:$0x10080] =	vst v63  }
0x198: {  	s22 =	simm.s32 $0xF080  }
0x199: {  	[tilespmem:s22], [sflag:$0x1] =	stream.indirect_vreg.gather [hbm4b:s5+s2], $0x80, v3, vm0, $0xb8;
	[tilespmem:$0x10080] =	vst v63  }
0x19a: {  	s13 =	simm.s32 $0xF880  }
0x19b: {  	[tilespmem:s13], [sflag:$0x1] =	stream.indirect_vreg.gather [hbm4b:s6+s2], $0x80, v3, vm0, $0xb8;
	[tilespmem:$0x10080] =	vst v63  }
0x19c: {  	_ =	swait.ge [sflag:s18], $0x10000  }
0x19d: {  	[sflag:s18] =	ssyncset.done $0x0  }
0x19e: {  	s19 =	rddreg [dreg:$0xa];
	[sflag:s18] =	ssyncadd.s32 $0xFFFF0000  }
0x19f: {  	[hbm4b:s19+s2] =	stream.linear.scatter [tilespmem:s9], [sflag:$0x2], $0x10000, $0x38;
	[tilespmem:$0x10080] =	vst v63  }
0x1a0: {  	_ =	swait.ge [sflag:s8], $0x10000  }
0x1a1: {  	[sflag:s8] =	ssyncset.done $0x0  }
0x1a2: {  	s19 =	rddreg [dreg:$0xb];
	[sflag:s8] =	ssyncadd.s32 $0xFFFF0000  }
0x1a3: {  	[tilespmem:s2], [sflag:$0x2] =	stream.linear.gather [hbm4b:s19+s2], $0x40, $0x38;
	[tilespmem:$0x10080] =	vst v63  }
0x1a4: {  	_ =	swait.ge [sflag:s8], $0x40  }
0x1a5: {  	[sflag:s8] =	ssyncset.done $0x0  }
0x1a6: {  	[sflag:s8] =	ssyncadd.s32 $0xFFFFFFC0  }
0x1a7: {  	v3 =	vld [tilespmem:$0x0];
	_ =	sdelay $0x4  }
0x1a8: {  	v48 =	vshll.u32 v3, $0x3  }
0x1a9: {  	v3 =	vand.u32 $0x7, v3;
	v4 =	vand.u32 $0xFFFFFFC0, v48  }
0x1aa: {  	v3 =	vor.u32 v3, v4  }
0x1ab: {  	v4 =	vperm.xlane v3, v0;
	_ =	sdelay $0x1  }
0x1ac: {  	v4 =	vadd.s32 v1, v4;
	_ =	sdelay $0x4  }
0x1ad: {  	[tilespmem:s9], [sflag:$0x1] =	stream.indirect_vreg.gather [hbm4b:s3+s2], $0x80, v4, vm0, $0xb8;
	[tilespmem:$0x10080] =	vst v63  }
0x1ae: {  	s19 =	simm.s32 $0x880;
	v3 =	vperm.xlane v3, v2  }
0x1af: {  	[tilespmem:s19], [sflag:$0x1] =	stream.indirect_vreg.gather [hbm4b:s4+s2], $0x80, v4, vm0, $0xb8;
	[tilespmem:$0x10080] =	vst v63  }
0x1b0: {  	s23 =	simm.s32 $0x1080;
	v3 =	vadd.s32 v1, v3  }
0x1b1: {  	[tilespmem:s23], [sflag:$0x1] =	stream.indirect_vreg.gather [hbm4b:s5+s2], $0x80, v4, vm0, $0xb8;
	[tilespmem:$0x10080] =	vst v63  }
0x1b2: {  	s19 =	simm.s32 $0x1880  }
0x1b3: {  	[tilespmem:s19], [sflag:$0x1] =	stream.indirect_vreg.gather [hbm4b:s6+s2], $0x80, v4, vm0, $0xb8;
	[tilespmem:$0x10080] =	vst v63  }
0x1b4: {  	s19 =	simm.s32 $0x2080  }
0x1b5: {  	[tilespmem:s19], [sflag:$0x1] =	stream.indirect_vreg.gather [hbm4b:s3+s2], $0x80, v3, vm0, $0xb8;
	[tilespmem:$0x10080] =	vst v63  }
0x1b6: {  	s19 =	simm.s32 $0x2880  }
0x1b7: {  	[tilespmem:s19], [sflag:$0x1] =	stream.indirect_vreg.gather [hbm4b:s4+s2], $0x80, v3, vm0, $0xb8;
	[tilespmem:$0x10080] =	vst v63  }
0x1b8: {  	s19 =	simm.s32 $0x3080  }
0x1b9: {  	[tilespmem:s19], [sflag:$0x1] =	stream.indirect_vreg.gather [hbm4b:s5+s2], $0x80, v3, vm0, $0xb8;
	[tilespmem:$0x10080] =	vst v63  }
0x1ba: {  	s19 =	simm.s32 $0x3880  }
0x1bb: {  	[tilespmem:s19], [sflag:$0x1] =	stream.indirect_vreg.gather [hbm4b:s6+s2], $0x80, v3, vm0, $0xb8;
	[tilespmem:$0x10080] =	vst v63  }
0x1bc: {  	v3 =	vld [tilespmem:$0x10];
	_ =	sdelay $0x4  }
0x1bd: {  	v49 =	vshll.u32 v3, $0x3  }
0x1be: {  	v3 =	vand.u32 $0x7, v3;
	v4 =	vand.u32 $0xFFFFFFC0, v49  }
0x1bf: {  	v3 =	vor.u32 v3, v4  }
0x1c0: {  	v4 =	vperm.xlane v3, v0;
	_ =	sdelay $0x1  }
0x1c1: {  	v4 =	vadd.s32 v1, v4;
	_ =	sdelay $0x3  }
0x1c2: {  	s25 =	simm.s32 $0x4080  }
0x1c3: {  	[tilespmem:s25], [sflag:$0x1] =	stream.indirect_vreg.gather [hbm4b:s3+s2], $0x80, v4, vm0, $0xb8;
	[tilespmem:$0x10080] =	vst v63  }
0x1c4: {  	s19 =	simm.s32 $0x4880;
	v3 =	vperm.xlane v3, v2  }
0x1c5: {  	[tilespmem:s19], [sflag:$0x1] =	stream.indirect_vreg.gather [hbm4b:s4+s2], $0x80, v4, vm0, $0xb8;
	[tilespmem:$0x10080] =	vst v63  }
0x1c6: {  	v3 =	vadd.s32 v1, v3;
	s19 =	simm.s32 $0x5080  }
0x1c7: {  	[tilespmem:s19], [sflag:$0x1] =	stream.indirect_vreg.gather [hbm4b:s5+s2], $0x80, v4, vm0, $0xb8;
	[tilespmem:$0x10080] =	vst v63  }
0x1c8: {  	s31 =	simm.s32 $0x5880  }
0x1c9: {  	[tilespmem:s31], [sflag:$0x1] =	stream.indirect_vreg.gather [hbm4b:s6+s2], $0x80, v4, vm0, $0xb8;
	[tilespmem:$0x10080] =	vst v63  }
0x1ca: {  	s0 =	simm.s32 $0x6080  }
0x1cb: {  	[tilespmem:s0], [sflag:$0x1] =	stream.indirect_vreg.gather [hbm4b:s3+s2], $0x80, v3, vm0, $0xb8;
	[tilespmem:$0x10080] =	vst v63  }
0x1cc: {  	s1 =	simm.s32 $0x6880  }
0x1cd: {  	[tilespmem:s1], [sflag:$0x1] =	stream.indirect_vreg.gather [hbm4b:s4+s2], $0x80, v3, vm0, $0xb8;
	[tilespmem:$0x10080] =	vst v63  }
0x1ce: {  	s7 =	simm.s32 $0x7080  }
0x1cf: {  	[tilespmem:s7], [sflag:$0x1] =	stream.indirect_vreg.gather [hbm4b:s5+s2], $0x80, v3, vm0, $0xb8;
	[tilespmem:$0x10080] =	vst v63  }
0x1d0: {  	s19 =	simm.s32 $0x7880  }
0x1d1: {  	[tilespmem:s19], [sflag:$0x1] =	stream.indirect_vreg.gather [hbm4b:s6+s2], $0x80, v3, vm0, $0xb8;
	[tilespmem:$0x10080] =	vst v63  }
0x1d2: {  	v3 =	vld [tilespmem:$0x20];
	_ =	sdelay $0x4  }
0x1d3: {  	v50 =	vshll.u32 v3, $0x3  }
0x1d4: {  	v3 =	vand.u32 $0x7, v3;
	v4 =	vand.u32 $0xFFFFFFC0, v50  }
0x1d5: {  	v3 =	vor.u32 v3, v4  }
0x1d6: {  	v4 =	vperm.xlane v3, v0;
	_ =	sdelay $0x1  }
0x1d7: {  	v4 =	vadd.s32 v1, v4;
	_ =	sdelay $0x3  }
0x1d8: {  	s30 =	simm.s32 $0x8080  }
0x1d9: {  	[tilespmem:s30], [sflag:$0x1] =	stream.indirect_vreg.gather [hbm4b:s3+s2], $0x80, v4, vm0, $0xb8;
	[tilespmem:$0x10080] =	vst v63  }
0x1da: {  	s21 =	simm.s32 $0x8880;
	v3 =	vperm.xlane v3, v2  }
0x1db: {  	[tilespmem:s21], [sflag:$0x1] =	stream.indirect_vreg.gather [hbm4b:s4+s2], $0x80, v4, vm0, $0xb8;
	[tilespmem:$0x10080] =	vst v63  }
0x1dc: {  	s16 =	simm.s32 $0x9080;
	v3 =	vadd.s32 v1, v3  }
0x1dd: {  	[tilespmem:s16], [sflag:$0x1] =	stream.indirect_vreg.gather [hbm4b:s5+s2], $0x80, v4, vm0, $0xb8;
	[tilespmem:$0x10080] =	vst v63  }
0x1de: {  	s26 =	simm.s32 $0x9880  }
0x1df: {  	[tilespmem:s26], [sflag:$0x1] =	stream.indirect_vreg.gather [hbm4b:s6+s2], $0x80, v4, vm0, $0xb8;
	[tilespmem:$0x10080] =	vst v63  }
0x1e0: {  	s17 =	simm.s32 $0xA080  }
0x1e1: {  	[tilespmem:s17], [sflag:$0x1] =	stream.indirect_vreg.gather [hbm4b:s3+s2], $0x80, v3, vm0, $0xb8;
	[tilespmem:$0x10080] =	vst v63  }
0x1e2: {  	s24 =	simm.s32 $0xA880  }
0x1e3: {  	[tilespmem:s24], [sflag:$0x1] =	stream.indirect_vreg.gather [hbm4b:s4+s2], $0x80, v3, vm0, $0xb8;
	[tilespmem:$0x10080] =	vst v63  }
0x1e4: {  	s15 =	simm.s32 $0xB080  }
0x1e5: {  	[tilespmem:s15], [sflag:$0x1] =	stream.indirect_vreg.gather [hbm4b:s5+s2], $0x80, v3, vm0, $0xb8;
	[tilespmem:$0x10080] =	vst v63  }
0x1e6: {  	s28 =	simm.s32 $0xB880  }
0x1e7: {  	[tilespmem:s28], [sflag:$0x1] =	stream.indirect_vreg.gather [hbm4b:s6+s2], $0x80, v3, vm0, $0xb8;
	[tilespmem:$0x10080] =	vst v63  }
0x1e8: {  	v3 =	vld [tilespmem:$0x30];
	_ =	sdelay $0x4  }
0x1e9: {  	v51 =	vshll.u32 v3, $0x3  }
0x1ea: {  	v3 =	vand.u32 $0x7, v3;
	v4 =	vand.u32 $0xFFFFFFC0, v51  }
0x1eb: {  	v3 =	vor.u32 v3, v4  }
0x1ec: {  	v4 =	vperm.xlane v3, v0;
	_ =	sdelay $0x1  }
0x1ed: {  	v4 =	vadd.s32 v1, v4;
	_ =	sdelay $0x3  }
0x1ee: {  	s29 =	simm.s32 $0xC080  }
0x1ef: {  	[tilespmem:s29], [sflag:$0x1] =	stream.indirect_vreg.gather [hbm4b:s3+s2], $0x80, v4, vm0, $0xb8;
	[tilespmem:$0x10080] =	vst v63  }
0x1f0: {  	s24 =	simm.s32 $0xC880;
	v3 =	vperm.xlane v3, v2  }
0x1f1: {  	[tilespmem:s24], [sflag:$0x1] =	stream.indirect_vreg.gather [hbm4b:s4+s2], $0x80, v4, vm0, $0xb8;
	[tilespmem:$0x10080] =	vst v63  }
0x1f2: {  	s10 =	simm.s32 $0xD080;
	v3 =	vadd.s32 v1, v3  }
0x1f3: {  	[tilespmem:s10], [sflag:$0x1] =	stream.indirect_vreg.gather [hbm4b:s5+s2], $0x80, v4, vm0, $0xb8;
	[tilespmem:$0x10080] =	vst v63  }
0x1f4: {  	s11 =	simm.s32 $0xD880  }
0x1f5: {  	[tilespmem:s11], [sflag:$0x1] =	stream.indirect_vreg.gather [hbm4b:s6+s2], $0x80, v4, vm0, $0xb8;
	[tilespmem:$0x10080] =	vst v63  }
0x1f6: {  	s12 =	simm.s32 $0xE080  }
0x1f7: {  	[tilespmem:s12], [sflag:$0x1] =	stream.indirect_vreg.gather [hbm4b:s3+s2], $0x80, v3, vm0, $0xb8;
	[tilespmem:$0x10080] =	vst v63  }
0x1f8: {  	s20 =	simm.s32 $0xE880  }
0x1f9: {  	[tilespmem:s20], [sflag:$0x1] =	stream.indirect_vreg.gather [hbm4b:s4+s2], $0x80, v3, vm0, $0xb8;
	[tilespmem:$0x10080] =	vst v63  }
0x1fa: {  	s22 =	simm.s32 $0xF080  }
0x1fb: {  	[tilespmem:s22], [sflag:$0x1] =	stream.indirect_vreg.gather [hbm4b:s5+s2], $0x80, v3, vm0, $0xb8;
	[tilespmem:$0x10080] =	vst v63  }
0x1fc: {  	s13 =	simm.s32 $0xF880  }
0x1fd: {  	[tilespmem:s13], [sflag:$0x1] =	stream.indirect_vreg.gather [hbm4b:s6+s2], $0x80, v3, vm0, $0xb8;
	[tilespmem:$0x10080] =	vst v63  }
0x1fe: {  	_ =	swait.ge [sflag:s18], $0x10000  }
0x1ff: {  	[sflag:s18] =	ssyncset.done $0x0  }
0x200: {  	s22 =	rddreg [dreg:$0xc];
	[sflag:s18] =	ssyncadd.s32 $0xFFFF0000  }
0x201: {  	[hbm4b:s22+s2] =	stream.linear.scatter [tilespmem:s9], [sflag:$0x2], $0x10000, $0x38;
	[tilespmem:$0x10080] =	vst v63  }
0x202: {  	_ =	swait.ge [sflag:s8], $0x10000  }
0x203: {  	[sflag:s8] =	ssyncset.done $0x0  }
0x204: {  	s22 =	rddreg [dreg:$0xd];
	[sflag:s8] =	ssyncadd.s32 $0xFFFF0000  }
0x205: {  	[tilespmem:s2], [sflag:$0x2] =	stream.linear.gather [hbm4b:s22+s2], $0x40, $0x38;
	[tilespmem:$0x10080] =	vst v63  }
0x206: {  	_ =	swait.ge [sflag:s8], $0x40  }
0x207: {  	[sflag:s8] =	ssyncset.done $0x0  }
0x208: {  	[sflag:s8] =	ssyncadd.s32 $0xFFFFFFC0  }
0x209: {  	v3 =	vld [tilespmem:$0x0];
	_ =	sdelay $0x4  }
0x20a: {  	v52 =	vshll.u32 v3, $0x3  }
0x20b: {  	v3 =	vand.u32 $0x7, v3;
	v4 =	vand.u32 $0xFFFFFFC0, v52  }
0x20c: {  	v3 =	vor.u32 v3, v4  }
0x20d: {  	v4 =	vperm.xlane v3, v0;
	_ =	sdelay $0x1  }
0x20e: {  	v4 =	vadd.s32 v1, v4;
	_ =	sdelay $0x4  }
0x20f: {  	[tilespmem:s9], [sflag:$0x1] =	stream.indirect_vreg.gather [hbm4b:s3+s2], $0x80, v4, vm0, $0xb8;
	[tilespmem:$0x10080] =	vst v63  }
0x210: {  	s22 =	simm.s32 $0x880;
	v3 =	vperm.xlane v3, v2  }
0x211: {  	[tilespmem:s22], [sflag:$0x1] =	stream.indirect_vreg.gather [hbm4b:s4+s2], $0x80, v4, vm0, $0xb8;
	[tilespmem:$0x10080] =	vst v63  }
0x212: {  	s23 =	simm.s32 $0x1080;
	v3 =	vadd.s32 v1, v3  }
0x213: {  	[tilespmem:s23], [sflag:$0x1] =	stream.indirect_vreg.gather [hbm4b:s5+s2], $0x80, v4, vm0, $0xb8;
	[tilespmem:$0x10080] =	vst v63  }
0x214: {  	s23 =	simm.s32 $0x1880  }
0x215: {  	[tilespmem:s23], [sflag:$0x1] =	stream.indirect_vreg.gather [hbm4b:s6+s2], $0x80, v4, vm0, $0xb8;
	[tilespmem:$0x10080] =	vst v63  }
0x216: {  	s22 =	simm.s32 $0x2080  }
0x217: {  	[tilespmem:s22], [sflag:$0x1] =	stream.indirect_vreg.gather [hbm4b:s3+s2], $0x80, v3, vm0, $0xb8;
	[tilespmem:$0x10080] =	vst v63  }
0x218: {  	s23 =	simm.s32 $0x2880  }
0x219: {  	[tilespmem:s23], [sflag:$0x1] =	stream.indirect_vreg.gather [hbm4b:s4+s2], $0x80, v3, vm0, $0xb8;
	[tilespmem:$0x10080] =	vst v63  }
0x21a: {  	s22 =	simm.s32 $0x3080  }
0x21b: {  	[tilespmem:s22], [sflag:$0x1] =	stream.indirect_vreg.gather [hbm4b:s5+s2], $0x80, v3, vm0, $0xb8;
	[tilespmem:$0x10080] =	vst v63  }
0x21c: {  	s23 =	simm.s32 $0x3880  }
0x21d: {  	[tilespmem:s23], [sflag:$0x1] =	stream.indirect_vreg.gather [hbm4b:s6+s2], $0x80, v3, vm0, $0xb8;
	[tilespmem:$0x10080] =	vst v63  }
0x21e: {  	v3 =	vld [tilespmem:$0x10];
	_ =	sdelay $0x4  }
0x21f: {  	v53 =	vshll.u32 v3, $0x3  }
0x220: {  	v3 =	vand.u32 $0x7, v3;
	v4 =	vand.u32 $0xFFFFFFC0, v53  }
0x221: {  	v3 =	vor.u32 v3, v4  }
0x222: {  	v4 =	vperm.xlane v3, v0;
	_ =	sdelay $0x1  }
0x223: {  	v4 =	vadd.s32 v1, v4;
	_ =	sdelay $0x3  }
0x224: {  	s25 =	simm.s32 $0x4080  }
0x225: {  	[tilespmem:s25], [sflag:$0x1] =	stream.indirect_vreg.gather [hbm4b:s3+s2], $0x80, v4, vm0, $0xb8;
	[tilespmem:$0x10080] =	vst v63  }
0x226: {  	s22 =	simm.s32 $0x4880;
	v3 =	vperm.xlane v3, v2  }
0x227: {  	[tilespmem:s22], [sflag:$0x1] =	stream.indirect_vreg.gather [hbm4b:s4+s2], $0x80, v4, vm0, $0xb8;
	[tilespmem:$0x10080] =	vst v63  }
0x228: {  	s23 =	simm.s32 $0x5080;
	v3 =	vadd.s32 v1, v3  }
0x229: {  	[tilespmem:s23], [sflag:$0x1] =	stream.indirect_vreg.gather [hbm4b:s5+s2], $0x80, v4, vm0, $0xb8;
	[tilespmem:$0x10080] =	vst v63  }
0x22a: {  	s31 =	simm.s32 $0x5880  }
0x22b: {  	[tilespmem:s31], [sflag:$0x1] =	stream.indirect_vreg.gather [hbm4b:s6+s2], $0x80, v4, vm0, $0xb8;
	[tilespmem:$0x10080] =	vst v63  }
0x22c: {  	s0 =	simm.s32 $0x6080  }
0x22d: {  	[tilespmem:s0], [sflag:$0x1] =	stream.indirect_vreg.gather [hbm4b:s3+s2], $0x80, v3, vm0, $0xb8;
	[tilespmem:$0x10080] =	vst v63  }
0x22e: {  	s1 =	simm.s32 $0x6880  }
0x22f: {  	[tilespmem:s1], [sflag:$0x1] =	stream.indirect_vreg.gather [hbm4b:s4+s2], $0x80, v3, vm0, $0xb8;
	[tilespmem:$0x10080] =	vst v63  }
0x230: {  	s7 =	simm.s32 $0x7080  }
0x231: {  	[tilespmem:s7], [sflag:$0x1] =	stream.indirect_vreg.gather [hbm4b:s5+s2], $0x80, v3, vm0, $0xb8;
	[tilespmem:$0x10080] =	vst v63  }
0x232: {  	s25 =	simm.s32 $0x7880  }
0x233: {  	[tilespmem:s25], [sflag:$0x1] =	stream.indirect_vreg.gather [hbm4b:s6+s2], $0x80, v3, vm0, $0xb8;
	[tilespmem:$0x10080] =	vst v63  }
0x234: {  	v3 =	vld [tilespmem:$0x20];
	_ =	sdelay $0x4  }
0x235: {  	v54 =	vshll.u32 v3, $0x3  }
0x236: {  	v3 =	vand.u32 $0x7, v3;
	v4 =	vand.u32 $0xFFFFFFC0, v54  }
0x237: {  	v3 =	vor.u32 v3, v4  }
0x238: {  	v4 =	vperm.xlane v3, v0;
	_ =	sdelay $0x1  }
0x239: {  	v4 =	vadd.s32 v1, v4;
	_ =	sdelay $0x3  }
0x23a: {  	s30 =	simm.s32 $0x8080  }
0x23b: {  	[tilespmem:s30], [sflag:$0x1] =	stream.indirect_vreg.gather [hbm4b:s3+s2], $0x80, v4, vm0, $0xb8;
	[tilespmem:$0x10080] =	vst v63  }
0x23c: {  	s21 =	simm.s32 $0x8880;
	v3 =	vperm.xlane v3, v2  }
0x23d: {  	[tilespmem:s21], [sflag:$0x1] =	stream.indirect_vreg.gather [hbm4b:s4+s2], $0x80, v4, vm0, $0xb8;
	[tilespmem:$0x10080] =	vst v63  }
0x23e: {  	s16 =	simm.s32 $0x9080;
	v3 =	vadd.s32 v1, v3  }
0x23f: {  	[tilespmem:s16], [sflag:$0x1] =	stream.indirect_vreg.gather [hbm4b:s5+s2], $0x80, v4, vm0, $0xb8;
	[tilespmem:$0x10080] =	vst v63  }
0x240: {  	s26 =	simm.s32 $0x9880  }
0x241: {  	[tilespmem:s26], [sflag:$0x1] =	stream.indirect_vreg.gather [hbm4b:s6+s2], $0x80, v4, vm0, $0xb8;
	[tilespmem:$0x10080] =	vst v63  }
0x242: {  	s17 =	simm.s32 $0xA080  }
0x243: {  	[tilespmem:s17], [sflag:$0x1] =	stream.indirect_vreg.gather [hbm4b:s3+s2], $0x80, v3, vm0, $0xb8;
	[tilespmem:$0x10080] =	vst v63  }
0x244: {  	s30 =	simm.s32 $0xA880  }
0x245: {  	[tilespmem:s30], [sflag:$0x1] =	stream.indirect_vreg.gather [hbm4b:s4+s2], $0x80, v3, vm0, $0xb8;
	[tilespmem:$0x10080] =	vst v63  }
0x246: {  	s15 =	simm.s32 $0xB080  }
0x247: {  	[tilespmem:s15], [sflag:$0x1] =	stream.indirect_vreg.gather [hbm4b:s5+s2], $0x80, v3, vm0, $0xb8;
	[tilespmem:$0x10080] =	vst v63  }
0x248: {  	s28 =	simm.s32 $0xB880  }
0x249: {  	[tilespmem:s28], [sflag:$0x1] =	stream.indirect_vreg.gather [hbm4b:s6+s2], $0x80, v3, vm0, $0xb8;
	[tilespmem:$0x10080] =	vst v63  }
0x24a: {  	v3 =	vld [tilespmem:$0x30];
	_ =	sdelay $0x4  }
0x24b: {  	v55 =	vshll.u32 v3, $0x3  }
0x24c: {  	v3 =	vand.u32 $0x7, v3;
	v4 =	vand.u32 $0xFFFFFFC0, v55  }
0x24d: {  	v3 =	vor.u32 v3, v4  }
0x24e: {  	v4 =	vperm.xlane v3, v0;
	_ =	sdelay $0x1  }
0x24f: {  	v4 =	vadd.s32 v1, v4;
	_ =	sdelay $0x3  }
0x250: {  	s29 =	simm.s32 $0xC080  }
0x251: {  	[tilespmem:s29], [sflag:$0x1] =	stream.indirect_vreg.gather [hbm4b:s3+s2], $0x80, v4, vm0, $0xb8;
	[tilespmem:$0x10080] =	vst v63  }
0x252: {  	s19 =	simm.s32 $0xC880;
	v3 =	vperm.xlane v3, v2  }
0x253: {  	[tilespmem:s19], [sflag:$0x1] =	stream.indirect_vreg.gather [hbm4b:s4+s2], $0x80, v4, vm0, $0xb8;
	[tilespmem:$0x10080] =	vst v63  }
0x254: {  	s24 =	simm.s32 $0xD080;
	v3 =	vadd.s32 v1, v3  }
0x255: {  	[tilespmem:s24], [sflag:$0x1] =	stream.indirect_vreg.gather [hbm4b:s5+s2], $0x80, v4, vm0, $0xb8;
	[tilespmem:$0x10080] =	vst v63  }
0x256: {  	s10 =	simm.s32 $0xD880  }
0x257: {  	[tilespmem:s10], [sflag:$0x1] =	stream.indirect_vreg.gather [hbm4b:s6+s2], $0x80, v4, vm0, $0xb8;
	[tilespmem:$0x10080] =	vst v63  }
0x258: {  	s11 =	simm.s32 $0xE080  }
0x259: {  	[tilespmem:s11], [sflag:$0x1] =	stream.indirect_vreg.gather [hbm4b:s3+s2], $0x80, v3, vm0, $0xb8;
	[tilespmem:$0x10080] =	vst v63  }
0x25a: {  	s12 =	simm.s32 $0xE880  }
0x25b: {  	[tilespmem:s12], [sflag:$0x1] =	stream.indirect_vreg.gather [hbm4b:s4+s2], $0x80, v3, vm0, $0xb8;
	[tilespmem:$0x10080] =	vst v63  }
0x25c: {  	s20 =	simm.s32 $0xF080  }
0x25d: {  	[tilespmem:s20], [sflag:$0x1] =	stream.indirect_vreg.gather [hbm4b:s5+s2], $0x80, v3, vm0, $0xb8;
	[tilespmem:$0x10080] =	vst v63  }
0x25e: {  	s13 =	simm.s32 $0xF880  }
0x25f: {  	[tilespmem:s13], [sflag:$0x1] =	stream.indirect_vreg.gather [hbm4b:s6+s2], $0x80, v3, vm0, $0xb8;
	[tilespmem:$0x10080] =	vst v63  }
0x260: {  	_ =	swait.ge [sflag:s18], $0x10000  }
0x261: {  	[sflag:s18] =	ssyncset.done $0x0  }
0x262: {  	s24 =	rddreg [dreg:$0xe];
	[sflag:s18] =	ssyncadd.s32 $0xFFFF0000  }
0x263: {  	[hbm4b:s24+s2] =	stream.linear.scatter [tilespmem:s9], [sflag:$0x2], $0x10000, $0x38;
	[tilespmem:$0x10080] =	vst v63  }
0x264: {  	_ =	swait.ge [sflag:s8], $0x10000  }
0x265: {  	[sflag:s8] =	ssyncset.done $0x0  }
0x266: {  	s28 =	rddreg [dreg:$0xf];
	[sflag:s8] =	ssyncadd.s32 $0xFFFF0000  }
0x267: {  	[tilespmem:s2], [sflag:$0x2] =	stream.linear.gather [hbm4b:s28+s2], $0x40, $0x38;
	[tilespmem:$0x10080] =	vst v63  }
0x268: {  	_ =	swait.ge [sflag:s8], $0x40  }
0x269: {  	[sflag:s8] =	ssyncset.done $0x0  }
0x26a: {  	[sflag:s8] =	ssyncadd.s32 $0xFFFFFFC0  }
0x26b: {  	v3 =	vld [tilespmem:$0x0];
	_ =	sdelay $0x4  }
0x26c: {  	v56 =	vshll.u32 v3, $0x3  }
0x26d: {  	v3 =	vand.u32 $0x7, v3;
	v4 =	vand.u32 $0xFFFFFFC0, v56  }
0x26e: {  	v3 =	vor.u32 v3, v4  }
0x26f: {  	v4 =	vperm.xlane v3, v0;
	_ =	sdelay $0x1  }
0x270: {  	v4 =	vadd.s32 v1, v4;
	_ =	sdelay $0x4  }
0x271: {  	[tilespmem:s9], [sflag:$0x1] =	stream.indirect_vreg.gather [hbm4b:s3+s2], $0x80, v4, vm0, $0xb8;
	[tilespmem:$0x10080] =	vst v63  }
0x272: {  	s30 =	simm.s32 $0x880;
	v3 =	vperm.xlane v3, v2  }
0x273: {  	[tilespmem:s30], [sflag:$0x1] =	stream.indirect_vreg.gather [hbm4b:s4+s2], $0x80, v4, vm0, $0xb8;
	[tilespmem:$0x10080] =	vst v63  }
0x274: {  	s11 =	simm.s32 $0x1080;
	v3 =	vadd.s32 v1, v3  }
0x275: {  	[tilespmem:s11], [sflag:$0x1] =	stream.indirect_vreg.gather [hbm4b:s5+s2], $0x80, v4, vm0, $0xb8;
	[tilespmem:$0x10080] =	vst v63  }
0x276: {  	s13 =	simm.s32 $0x1880  }
0x277: {  	[tilespmem:s13], [sflag:$0x1] =	stream.indirect_vreg.gather [hbm4b:s6+s2], $0x80, v4, vm0, $0xb8;
	[tilespmem:$0x10080] =	vst v63  }
0x278: {  	s19 =	simm.s32 $0x2080  }
0x279: {  	[tilespmem:s19], [sflag:$0x1] =	stream.indirect_vreg.gather [hbm4b:s3+s2], $0x80, v3, vm0, $0xb8;
	[tilespmem:$0x10080] =	vst v63  }
0x27a: {  	s20 =	simm.s32 $0x2880  }
0x27b: {  	[tilespmem:s20], [sflag:$0x1] =	stream.indirect_vreg.gather [hbm4b:s4+s2], $0x80, v3, vm0, $0xb8;
	[tilespmem:$0x10080] =	vst v63  }
0x27c: {  	s24 =	simm.s32 $0x3080  }
0x27d: {  	[tilespmem:s24], [sflag:$0x1] =	stream.indirect_vreg.gather [hbm4b:s5+s2], $0x80, v3, vm0, $0xb8;
	[tilespmem:$0x10080] =	vst v63  }
0x27e: {  	s28 =	simm.s32 $0x3880  }
0x27f: {  	[tilespmem:s28], [sflag:$0x1] =	stream.indirect_vreg.gather [hbm4b:s6+s2], $0x80, v3, vm0, $0xb8;
	[tilespmem:$0x10080] =	vst v63  }
0x280: {  	v3 =	vld [tilespmem:$0x10];
	_ =	sdelay $0x4  }
0x281: {  	v57 =	vshll.u32 v3, $0x3  }
0x282: {  	v3 =	vand.u32 $0x7, v3;
	v4 =	vand.u32 $0xFFFFFFC0, v57  }
0x283: {  	v3 =	vor.u32 v3, v4  }
0x284: {  	v4 =	vperm.xlane v3, v0;
	_ =	sdelay $0x1  }
0x285: {  	v4 =	vadd.s32 v1, v4;
	_ =	sdelay $0x3  }
0x286: {  	s13 =	simm.s32 $0x4080  }
0x287: {  	[tilespmem:s13], [sflag:$0x1] =	stream.indirect_vreg.gather [hbm4b:s3+s2], $0x80, v4, vm0, $0xb8;
	[tilespmem:$0x10080] =	vst v63  }
0x288: {  	s19 =	simm.s32 $0x4880;
	v3 =	vperm.xlane v3, v2  }
0x289: {  	[tilespmem:s19], [sflag:$0x1] =	stream.indirect_vreg.gather [hbm4b:s4+s2], $0x80, v4, vm0, $0xb8;
	[tilespmem:$0x10080] =	vst v63  }
0x28a: {  	s20 =	simm.s32 $0x5080;
	v3 =	vadd.s32 v1, v3  }
0x28b: {  	[tilespmem:s20], [sflag:$0x1] =	stream.indirect_vreg.gather [hbm4b:s5+s2], $0x80, v4, vm0, $0xb8;
	[tilespmem:$0x10080] =	vst v63  }
0x28c: {  	s23 =	simm.s32 $0x5880  }
0x28d: {  	[tilespmem:s23], [sflag:$0x1] =	stream.indirect_vreg.gather [hbm4b:s6+s2], $0x80, v4, vm0, $0xb8;
	[tilespmem:$0x10080] =	vst v63  }
0x28e: {  	s0 =	simm.s32 $0x6080  }
0x28f: {  	[tilespmem:s0], [sflag:$0x1] =	stream.indirect_vreg.gather [hbm4b:s3+s2], $0x80, v3, vm0, $0xb8;
	[tilespmem:$0x10080] =	vst v63  }
0x290: {  	s1 =	simm.s32 $0x6880  }
0x291: {  	[tilespmem:s1], [sflag:$0x1] =	stream.indirect_vreg.gather [hbm4b:s4+s2], $0x80, v3, vm0, $0xb8;
	[tilespmem:$0x10080] =	vst v63  }
0x292: {  	s7 =	simm.s32 $0x7080  }
0x293: {  	[tilespmem:s7], [sflag:$0x1] =	stream.indirect_vreg.gather [hbm4b:s5+s2], $0x80, v3, vm0, $0xb8;
	[tilespmem:$0x10080] =	vst v63  }
0x294: {  	s24 =	simm.s32 $0x7880  }
0x295: {  	[tilespmem:s24], [sflag:$0x1] =	stream.indirect_vreg.gather [hbm4b:s6+s2], $0x80, v3, vm0, $0xb8;
	[tilespmem:$0x10080] =	vst v63  }
0x296: {  	v3 =	vld [tilespmem:$0x20];
	_ =	sdelay $0x4  }
0x297: {  	v58 =	vshll.u32 v3, $0x3  }
0x298: {  	v3 =	vand.u32 $0x7, v3;
	v4 =	vand.u32 $0xFFFFFFC0, v58  }
0x299: {  	v3 =	vor.u32 v3, v4  }
0x29a: {  	v4 =	vperm.xlane v3, v0;
	_ =	sdelay $0x1  }
0x29b: {  	v4 =	vadd.s32 v1, v4;
	_ =	sdelay $0x3  }
0x29c: {  	s22 =	simm.s32 $0x8080  }
0x29d: {  	[tilespmem:s22], [sflag:$0x1] =	stream.indirect_vreg.gather [hbm4b:s3+s2], $0x80, v4, vm0, $0xb8;
	[tilespmem:$0x10080] =	vst v63  }
0x29e: {  	s25 =	simm.s32 $0x8880;
	v3 =	vperm.xlane v3, v2  }
0x29f: {  	[tilespmem:s25], [sflag:$0x1] =	stream.indirect_vreg.gather [hbm4b:s4+s2], $0x80, v4, vm0, $0xb8;
	[tilespmem:$0x10080] =	vst v63  }
0x2a0: {  	s31 =	simm.s32 $0x9080;
	v3 =	vadd.s32 v1, v3  }
0x2a1: {  	[tilespmem:s31], [sflag:$0x1] =	stream.indirect_vreg.gather [hbm4b:s5+s2], $0x80, v4, vm0, $0xb8;
	[tilespmem:$0x10080] =	vst v63  }
0x2a2: {  	s31 =	simm.s32 $0x9880  }
0x2a3: {  	[tilespmem:s31], [sflag:$0x1] =	stream.indirect_vreg.gather [hbm4b:s6+s2], $0x80, v4, vm0, $0xb8;
	[tilespmem:$0x10080] =	vst v63  }
0x2a4: {  	s17 =	simm.s32 $0xA080  }
0x2a5: {  	[tilespmem:s17], [sflag:$0x1] =	stream.indirect_vreg.gather [hbm4b:s3+s2], $0x80, v3, vm0, $0xb8;
	[tilespmem:$0x10080] =	vst v63  }
0x2a6: {  	s20 =	simm.s32 $0xA880  }
0x2a7: {  	[tilespmem:s20], [sflag:$0x1] =	stream.indirect_vreg.gather [hbm4b:s4+s2], $0x80, v3, vm0, $0xb8;
	[tilespmem:$0x10080] =	vst v63  }
0x2a8: {  	s21 =	simm.s32 $0xB080  }
0x2a9: {  	[tilespmem:s21], [sflag:$0x1] =	stream.indirect_vreg.gather [hbm4b:s5+s2], $0x80, v3, vm0, $0xb8;
	[tilespmem:$0x10080] =	vst v63  }
0x2aa: {  	s21 =	simm.s32 $0xB880  }
0x2ab: {  	[tilespmem:s21], [sflag:$0x1] =	stream.indirect_vreg.gather [hbm4b:s6+s2], $0x80, v3, vm0, $0xb8;
	[tilespmem:$0x10080] =	vst v63  }
0x2ac: {  	v3 =	vld [tilespmem:$0x30];
	_ =	sdelay $0x4  }
0x2ad: {  	v59 =	vshll.u32 v3, $0x3  }
0x2ae: {  	v3 =	vand.u32 $0x7, v3;
	v4 =	vand.u32 $0xFFFFFFC0, v59  }
0x2af: {  	v3 =	vor.u32 v3, v4  }
0x2b0: {  	v4 =	vperm.xlane v3, v0;
	_ =	sdelay $0x1  }
0x2b1: {  	v4 =	vadd.s32 v1, v4;
	_ =	sdelay $0x3  }
0x2b2: {  	s22 =	simm.s32 $0xC080  }
0x2b3: {  	[tilespmem:s22], [sflag:$0x1] =	stream.indirect_vreg.gather [hbm4b:s3+s2], $0x80, v4, vm0, $0xb8;
	[tilespmem:$0x10080] =	vst v63  }
0x2b4: {  	s23 =	simm.s32 $0xC880;
	v3 =	vperm.xlane v3, v2  }
0x2b5: {  	[tilespmem:s23], [sflag:$0x1] =	stream.indirect_vreg.gather [hbm4b:s4+s2], $0x80, v4, vm0, $0xb8;
	[tilespmem:$0x10080] =	vst v63  }
0x2b6: {  	s16 =	simm.s32 $0xD080;
	v3 =	vadd.s32 v1, v3  }
0x2b7: {  	[tilespmem:s16], [sflag:$0x1] =	stream.indirect_vreg.gather [hbm4b:s5+s2], $0x80, v4, vm0, $0xb8;
	[tilespmem:$0x10080] =	vst v63  }
0x2b8: {  	s26 =	simm.s32 $0xD880  }
0x2b9: {  	[tilespmem:s26], [sflag:$0x1] =	stream.indirect_vreg.gather [hbm4b:s6+s2], $0x80, v4, vm0, $0xb8;
	[tilespmem:$0x10080] =	vst v63  }
0x2ba: {  	s15 =	simm.s32 $0xE080  }
0x2bb: {  	[tilespmem:s15], [sflag:$0x1] =	stream.indirect_vreg.gather [hbm4b:s3+s2], $0x80, v3, vm0, $0xb8;
	[tilespmem:$0x10080] =	vst v63  }
0x2bc: {  	s12 =	simm.s32 $0xE880  }
0x2bd: {  	[tilespmem:s12], [sflag:$0x1] =	stream.indirect_vreg.gather [hbm4b:s4+s2], $0x80, v3, vm0, $0xb8;
	[tilespmem:$0x10080] =	vst v63  }
0x2be: {  	s29 =	simm.s32 $0xF080  }
0x2bf: {  	[tilespmem:s29], [sflag:$0x1] =	stream.indirect_vreg.gather [hbm4b:s5+s2], $0x80, v3, vm0, $0xb8;
	[tilespmem:$0x10080] =	vst v63  }
0x2c0: {  	s26 =	simm.s32 $0xF880  }
0x2c1: {  	[tilespmem:s26], [sflag:$0x1] =	stream.indirect_vreg.gather [hbm4b:s6+s2], $0x80, v3, vm0, $0xb8;
	[tilespmem:$0x10080] =	vst v63  }
0x2c2: {  	_ =	swait.ge [sflag:s18], $0x10000  }
0x2c3: {  	[sflag:s18] =	ssyncset.done $0x0  }
0x2c4: {  	s29 =	rddreg [dreg:$0x10];
	[sflag:s18] =	ssyncadd.s32 $0xFFFF0000  }
0x2c5: {  	[hbm4b:s29+s2] =	stream.linear.scatter [tilespmem:s9], [sflag:$0x2], $0x10000, $0x38;
	[tilespmem:$0x10080] =	vst v63  }
0x2c6: {  	_ =	swait.ge [sflag:s8], $0x10000  }
0x2c7: {  	[sflag:s8] =	ssyncset.done $0x0  }
0x2c8: {  	s29 =	rddreg [dreg:$0x11];
	[sflag:s8] =	ssyncadd.s32 $0xFFFF0000  }
0x2c9: {  	[tilespmem:s2], [sflag:$0x2] =	stream.linear.gather [hbm4b:s29+s2], $0x40, $0x38;
	[tilespmem:$0x10080] =	vst v63  }
0x2ca: {  	_ =	swait.ge [sflag:s8], $0x40  }
0x2cb: {  	[sflag:s8] =	ssyncset.done $0x0  }
0x2cc: {  	[sflag:s8] =	ssyncadd.s32 $0xFFFFFFC0  }
0x2cd: {  	v3 =	vld [tilespmem:$0x0];
	_ =	sdelay $0x4  }
0x2ce: {  	v60 =	vshll.u32 v3, $0x3  }
0x2cf: {  	v3 =	vand.u32 $0x7, v3;
	v4 =	vand.u32 $0xFFFFFFC0, v60  }
0x2d0: {  	v3 =	vor.u32 v3, v4  }
0x2d1: {  	v4 =	vperm.xlane v3, v0;
	_ =	sdelay $0x1  }
0x2d2: {  	v4 =	vadd.s32 v1, v4;
	_ =	sdelay $0x4  }
0x2d3: {  	[tilespmem:s9], [sflag:$0x1] =	stream.indirect_vreg.gather [hbm4b:s3+s2], $0x80, v4, vm0, $0xb8;
	[tilespmem:$0x10080] =	vst v63  }
0x2d4: {  	s29 =	simm.s32 $0x880;
	v3 =	vperm.xlane v3, v2  }
0x2d5: {  	[tilespmem:s29], [sflag:$0x1] =	stream.indirect_vreg.gather [hbm4b:s4+s2], $0x80, v4, vm0, $0xb8;
	[tilespmem:$0x10080] =	vst v63  }
0x2d6: {  	s11 =	simm.s32 $0x1080;
	v3 =	vadd.s32 v1, v3  }
0x2d7: {  	[tilespmem:s11], [sflag:$0x1] =	stream.indirect_vreg.gather [hbm4b:s5+s2], $0x80, v4, vm0, $0xb8;
	[tilespmem:$0x10080] =	vst v63  }
0x2d8: {  	s30 =	simm.s32 $0x1880  }
0x2d9: {  	[tilespmem:s30], [sflag:$0x1] =	stream.indirect_vreg.gather [hbm4b:s6+s2], $0x80, v4, vm0, $0xb8;
	[tilespmem:$0x10080] =	vst v63  }
0x2da: {  	s19 =	simm.s32 $0x2080  }
0x2db: {  	[tilespmem:s19], [sflag:$0x1] =	stream.indirect_vreg.gather [hbm4b:s3+s2], $0x80, v3, vm0, $0xb8;
	[tilespmem:$0x10080] =	vst v63  }
0x2dc: {  	s29 =	simm.s32 $0x2880  }
0x2dd: {  	[tilespmem:s29], [sflag:$0x1] =	stream.indirect_vreg.gather [hbm4b:s4+s2], $0x80, v3, vm0, $0xb8;
	[tilespmem:$0x10080] =	vst v63  }
0x2de: {  	s30 =	simm.s32 $0x3080  }
0x2df: {  	[tilespmem:s30], [sflag:$0x1] =	stream.indirect_vreg.gather [hbm4b:s5+s2], $0x80, v3, vm0, $0xb8;
	[tilespmem:$0x10080] =	vst v63  }
0x2e0: {  	s19 =	simm.s32 $0x3880  }
0x2e1: {  	[tilespmem:s19], [sflag:$0x1] =	stream.indirect_vreg.gather [hbm4b:s6+s2], $0x80, v3, vm0, $0xb8;
	[tilespmem:$0x10080] =	vst v63  }
0x2e2: {  	v3 =	vld [tilespmem:$0x10];
	_ =	sdelay $0x4  }
0x2e3: {  	v61 =	vshll.u32 v3, $0x3  }
0x2e4: {  	v3 =	vand.u32 $0x7, v3;
	v4 =	vand.u32 $0xFFFFFFC0, v61  }
0x2e5: {  	v3 =	vor.u32 v3, v4  }
0x2e6: {  	v4 =	vperm.xlane v3, v0;
	_ =	sdelay $0x1  }
0x2e7: {  	v4 =	vadd.s32 v1, v4;
	_ =	sdelay $0x3  }
0x2e8: {  	s28 =	simm.s32 $0x4080  }
0x2e9: {  	[tilespmem:s28], [sflag:$0x1] =	stream.indirect_vreg.gather [hbm4b:s3+s2], $0x80, v4, vm0, $0xb8;
	[tilespmem:$0x10080] =	vst v63  }
0x2ea: {  	s29 =	simm.s32 $0x4880;
	v3 =	vperm.xlane v3, v2  }
0x2eb: {  	[tilespmem:s29], [sflag:$0x1] =	stream.indirect_vreg.gather [hbm4b:s4+s2], $0x80, v4, vm0, $0xb8;
	[tilespmem:$0x10080] =	vst v63  }
0x2ec: {  	s30 =	simm.s32 $0x5080;
	v3 =	vadd.s32 v1, v3  }
0x2ed: {  	[tilespmem:s30], [sflag:$0x1] =	stream.indirect_vreg.gather [hbm4b:s5+s2], $0x80, v4, vm0, $0xb8;
	[tilespmem:$0x10080] =	vst v63  }
0x2ee: {  	s10 =	simm.s32 $0x5880  }
0x2ef: {  	[tilespmem:s10], [sflag:$0x1] =	stream.indirect_vreg.gather [hbm4b:s6+s2], $0x80, v4, vm0, $0xb8;
	[tilespmem:$0x10080] =	vst v63  }
0x2f0: {  	s13 =	simm.s32 $0x6080  }
0x2f1: {  	[tilespmem:s13], [sflag:$0x1] =	stream.indirect_vreg.gather [hbm4b:s3+s2], $0x80, v3, vm0, $0xb8;
	[tilespmem:$0x10080] =	vst v63  }
0x2f2: {  	s0 =	simm.s32 $0x6880  }
0x2f3: {  	[tilespmem:s0], [sflag:$0x1] =	stream.indirect_vreg.gather [hbm4b:s4+s2], $0x80, v3, vm0, $0xb8;
	[tilespmem:$0x10080] =	vst v63  }
0x2f4: {  	s1 =	simm.s32 $0x7080  }
0x2f5: {  	[tilespmem:s1], [sflag:$0x1] =	stream.indirect_vreg.gather [hbm4b:s5+s2], $0x80, v3, vm0, $0xb8;
	[tilespmem:$0x10080] =	vst v63  }
0x2f6: {  	s19 =	simm.s32 $0x7880  }
0x2f7: {  	[tilespmem:s19], [sflag:$0x1] =	stream.indirect_vreg.gather [hbm4b:s6+s2], $0x80, v3, vm0, $0xb8;
	[tilespmem:$0x10080] =	vst v63  }
0x2f8: {  	v3 =	vld [tilespmem:$0x20];
	_ =	sdelay $0x4  }
0x2f9: {  	v62 =	vshll.u32 v3, $0x3  }
0x2fa: {  	v3 =	vand.u32 $0x7, v3;
	v4 =	vand.u32 $0xFFFFFFC0, v62  }
0x2fb: {  	v3 =	vor.u32 v3, v4  }
0x2fc: {  	v4 =	vperm.xlane v3, v0;
	_ =	sdelay $0x1  }
0x2fd: {  	v4 =	vadd.s32 v1, v4;
	_ =	sdelay $0x3  }
0x2fe: {  	s7 =	simm.s32 $0x8080  }
0x2ff: {  	[tilespmem:s7], [sflag:$0x1] =	stream.indirect_vreg.gather [hbm4b:s3+s2], $0x80, v4, vm0, $0xb8;
	[tilespmem:$0x10080] =	vst v63  }
0x300: {  	s24 =	simm.s32 $0x8880;
	v3 =	vperm.xlane v3, v2  }
0x301: {  	[tilespmem:s24], [sflag:$0x1] =	stream.indirect_vreg.gather [hbm4b:s4+s2], $0x80, v4, vm0, $0xb8;
	[tilespmem:$0x10080] =	vst v63  }
0x302: {  	s25 =	simm.s32 $0x9080;
	v3 =	vadd.s32 v1, v3  }
0x303: {  	[tilespmem:s25], [sflag:$0x1] =	stream.indirect_vreg.gather [hbm4b:s5+s2], $0x80, v4, vm0, $0xb8;
	[tilespmem:$0x10080] =	vst v63  }
0x304: {  	s31 =	simm.s32 $0x9880  }
0x305: {  	[tilespmem:s31], [sflag:$0x1] =	stream.indirect_vreg.gather [hbm4b:s6+s2], $0x80, v4, vm0, $0xb8;
	[tilespmem:$0x10080] =	vst v63  }
0x306: {  	s17 =	simm.s32 $0xA080  }
0x307: {  	[tilespmem:s17], [sflag:$0x1] =	stream.indirect_vreg.gather [hbm4b:s3+s2], $0x80, v3, vm0, $0xb8;
	[tilespmem:$0x10080] =	vst v63  }
0x308: {  	s28 =	simm.s32 $0xA880  }
0x309: {  	[tilespmem:s28], [sflag:$0x1] =	stream.indirect_vreg.gather [hbm4b:s4+s2], $0x80, v3, vm0, $0xb8;
	[tilespmem:$0x10080] =	vst v63  }
0x30a: {  	s20 =	simm.s32 $0xB080  }
0x30b: {  	[tilespmem:s20], [sflag:$0x1] =	stream.indirect_vreg.gather [hbm4b:s5+s2], $0x80, v3, vm0, $0xb8;
	[tilespmem:$0x10080] =	vst v63  }
0x30c: {  	s21 =	simm.s32 $0xB880  }
0x30d: {  	[tilespmem:s21], [sflag:$0x1] =	stream.indirect_vreg.gather [hbm4b:s6+s2], $0x80, v3, vm0, $0xb8;
	[tilespmem:$0x10080] =	vst v63  }
0x30e: {  	v3 =	vld [tilespmem:$0x30];
	_ =	sdelay $0x4  }
0x30f: {  	v63 =	vshll.u32 v3, $0x3  }
0x310: {  	v3 =	vand.u32 $0x7, v3;
	v4 =	vand.u32 $0xFFFFFFC0, v63  }
0x311: {  	v3 =	vor.u32 v3, v4  }
0x312: {  	v4 =	vperm.xlane v3, v0;
	_ =	sdelay $0x1  }
0x313: {  	v4 =	vadd.s32 v1, v4;
	_ =	sdelay $0x3  }
0x314: {  	s29 =	simm.s32 $0xC080  }
0x315: {  	[tilespmem:s29], [sflag:$0x1] =	stream.indirect_vreg.gather [hbm4b:s3+s2], $0x80, v4, vm0, $0xb8;
	[tilespmem:$0x10080] =	vst v63  }
0x316: {  	s30 =	simm.s32 $0xC880;
	v3 =	vperm.xlane v3, v2  }
0x317: {  	[tilespmem:s30], [sflag:$0x1] =	stream.indirect_vreg.gather [hbm4b:s4+s2], $0x80, v4, vm0, $0xb8;
	[tilespmem:$0x10080] =	vst v63  }
0x318: {  	s23 =	simm.s32 $0xD080;
	v3 =	vadd.s32 v1, v3  }
0x319: {  	[tilespmem:s23], [sflag:$0x1] =	stream.indirect_vreg.gather [hbm4b:s5+s2], $0x80, v4, vm0, $0xb8;
	[tilespmem:$0x10080] =	vst v63  }
0x31a: {  	s16 =	simm.s32 $0xD880  }
0x31b: {  	[tilespmem:s16], [sflag:$0x1] =	stream.indirect_vreg.gather [hbm4b:s6+s2], $0x80, v4, vm0, $0xb8;
	[tilespmem:$0x10080] =	vst v63  }
0x31c: {  	s22 =	simm.s32 $0xE080  }
0x31d: {  	[tilespmem:s22], [sflag:$0x1] =	stream.indirect_vreg.gather [hbm4b:s3+s2], $0x80, v3, vm0, $0xb8;
	[tilespmem:$0x10080] =	vst v63  }
0x31e: {  	s15 =	simm.s32 $0xE880  }
0x31f: {  	[tilespmem:s15], [sflag:$0x1] =	stream.indirect_vreg.gather [hbm4b:s4+s2], $0x80, v3, vm0, $0xb8;
	[tilespmem:$0x10080] =	vst v63  }
0x320: {  	s12 =	simm.s32 $0xF080  }
0x321: {  	[tilespmem:s12], [sflag:$0x1] =	stream.indirect_vreg.gather [hbm4b:s5+s2], $0x80, v3, vm0, $0xb8;
	[tilespmem:$0x10080] =	vst v63  }
0x322: {  	s26 =	simm.s32 $0xF880  }
0x323: {  	[tilespmem:s26], [sflag:$0x1] =	stream.indirect_vreg.gather [hbm4b:s6+s2], $0x80, v3, vm0, $0xb8;
	[tilespmem:$0x10080] =	vst v63  }
0x324: {  	_ =	swait.ge [sflag:s18], $0x10000  }
0x325: {  	p0 =	sne.s32 s14, $0x1;
	[sflag:s18] =	ssyncset.done $0x0  }
.Ltmp0:
0x326: {  	s31 =	rddreg [dreg:$0x12];
	[sflag:s18] =	ssyncadd.s32 $0xFFFF0000;
	(pc) =	sbr.rel @p0 .LBB2_1-.Ltmp0, $4  }
0x327: {  	[hbm4b:s31+s2] =	stream.linear.scatter [tilespmem:s9], [sflag:$0x2], $0x10000, $0x38;
	[tilespmem:$0x10080] =	vst v63  }
0x328: {  	_ =	swait.ge [sflag:s8], $0x10000  }
0x329: {  	[sflag:s8] =	ssyncset.done $0x0  }
0x32a: {  	s14 =	sadd.s32 $0xFFFFFFFF, s14;
	[sflag:s8] =	ssyncadd.s32 $0xFFFF0000  }
0x32b: {  	_ =	sfence.sel $0x180000  }
0x32c: {  	[bflag:$0x0] =	sbarrier.arrive $0xFFFF  }
0x32d: {  	_ =	strace $0x90000047  }
0x32e: {  	s0 =	stileid.u32;
	[bflag:$0x2] =	sbarrier.arrive $0xFFFF  }
0x32f: {  	p0 =	sne.s32 s0, $0x0;
	s0 =	rddreg [dreg:$0x2]  }
0x330: {  	s0 =	sadd.s32 @!p0 $0x100000, s0  }
0x331: {  	[sflag:s0] =	ssyncadd.tile.s32 @!p0 $0x1;
	_ =	shalt  }
.Lfunc_end2:
_tile_overlayer_lowered:
.L_overlay_start_2:
0x332: {  	(tag) =	ssettag $0x2  }
0x333: {  	s0 =	rddreg [dreg:$0x0];
	s2 =	stileid.u32  }
0x334: {  	s1 =	rddreg [dreg:$0x1];
	p0 =	sne.s32 s2, $0x0  }
0x335: {  	s3 =	rddreg [dreg:$0x2];
	[bflag:$0x3] =	sbarrier.arrive $0xFFFF;
	s2 =	simm.s32 @!p0 $0x1C02  }
0x336: {  	[timem:s3], [sflag:s2] =	dma.local @!p0 [hbm:s0], s1  }
0x337: {  	s0 =	simm.s32 @!p0 $0x2  }
0x338: {  	_ =	swait.ge @!p0 [sflag:s0], s1  }
0x339: {  	s1 =	ssub.s32 @!p0 $0x0, s1;
	[sflag:s0] =	ssyncset.done @!p0 $0x0  }
0x33a: {  	[sflag:s0] =	ssyncadd.s32 @!p0 s1  }
0x33b: {  	[bflag:$0x3] =	sbarrier.arrive $0xFFFF  }
0x33c: {  	_ =	shalt  }

</sc_bundles>
